<compile_context>
chip_gen: v7x
topology: tpu7x:2x2x1
jax: 0.10.2.dev20260603
libtpu: 0.0.44.dev20260713+nightly
codegen_flags: <defaults>
</compile_context>

<pallas_src>
import functools

import jax
import jax.numpy as jnp
from jax import lax
from jax.experimental import pallas as pl
from jax.experimental.pallas import tpu as pltpu
from jax.experimental.pallas import tpu_sc as plsc

D_MODEL = 1024
T = 8192

_NC = 2
_NS = 16
_NW = _NC * _NS
_BPW = T // _NW
_C = 32
_NCHUNK = _BPW // _C
_NBUF = 3


@functools.partial(
    pl.kernel,
    mesh=plsc.VectorSubcoreMesh(core_axis_name="c", subcore_axis_name="s"),
    out_type=jax.ShapeDtypeStruct((1, T, D_MODEL), jnp.float32),
    scratch_types=(
        [pltpu.VMEM((_BPW,), jnp.int32)]
        + [pltpu.VMEM((_C, D_MODEL), jnp.float32)] * _NBUF
        + [pltpu.SemaphoreType.DMA] * (2 * _NBUF)
    ),
)
def _gather_rows(types_hbm, emb_hbm, out_hbm, idx_v, *rest):
    bufs = rest[:_NBUF]
    gsem = rest[_NBUF:2 * _NBUF]
    wsem = rest[2 * _NBUF:]
    wid = lax.axis_index("s") * _NC + lax.axis_index("c")
    base = wid * _BPW

    def gather(c):
        return pltpu.async_copy(
            emb_hbm.at[idx_v.at[pl.ds(c * _C, _C)]],
            bufs[c % _NBUF], gsem[c % _NBUF])

    pltpu.sync_copy(types_hbm.at[pl.ds(base, _C)], idx_v.at[pl.ds(0, _C)])
    gh = [None] * _NCHUNK
    wh = [None] * _NCHUNK
    gh[0] = gather(0)
    pltpu.sync_copy(types_hbm.at[pl.ds(base + _C, _C)],
                    idx_v.at[pl.ds(_C, _C)])
    gh[1] = gather(1)
    pltpu.sync_copy(types_hbm.at[pl.ds(base + 2 * _C, _BPW - 2 * _C)],
                    idx_v.at[pl.ds(2 * _C, _BPW - 2 * _C)])
    for c in range(2, _NBUF - 1):
        gh[c] = gather(c)
    for c in range(_NCHUNK):
        n = c + _NBUF - 1
        if n < _NCHUNK:
            if c >= 1:
                wh[c - 1].wait()
            gh[n] = gather(n)
        gh[c].wait()
        wh[c] = pltpu.async_copy(
            bufs[c % _NBUF], out_hbm.at[0, pl.ds(base + c * _C, _C)],
            wsem[c % _NBUF])
    for c in range(_NCHUNK - _NBUF, _NCHUNK):
        wh[c].wait()


def kernel(types, emb):
    return _gather_rows(types.astype(jnp.int32), emb)

# --- scband reference (transcript-rebuilt; emitter-appended) ---
"""Pipeline reference for scband-token-type-encoding-3616362463373 (READ-ONLY COPY).

The authoritative reference and input builder live on the scoring server;
editing this copy changes nothing except your own understanding.
"""

import jax, jax.numpy as jnp
import numpy as np

N_TYPES = 100000
D_MODEL = 1024
T = 8192

def setup_inputs(seed: int = 0) -> dict:
    key = jax.random.key(seed)
    k_idx, k_emb = jax.random.split(key)
    types = jax.random.randint(k_idx, (T,), 0, N_TYPES, dtype=jnp.int64 if jax.config.jax_enable_x64 else jnp.int32)
    emb = jax.random.normal(k_emb, (N_TYPES, D_MODEL), dtype=jnp.float32)
    return {"types": types, "emb": emb}

def reference(types, emb):
    # Learned token-type embedding lookup: (T,) -> (1, T, D)
    y = jnp.take(emb, types, axis=0)  # (T, D)
    # dropout p=0.0 -> identity
    return y[None, :, :]  # (1, T, D)

if __name__ == "__main__":
    import jax
    _d = setup_inputs()
    print(jax.jit(kernel)(*tuple(_d.values())))

</pallas_src>

<mosaic_0001>
#map = affine_map<(d0, d1) -> (0)>
#map1 = affine_map<(d0, d1) -> (0, 0)>
#map2 = affine_map<(d0, d1) -> (0, 0, 0)>
module attributes {stable_mosaic.version = 14 : i64} {
  func.func @_gather_rows(%arg0: i32, %arg1: i32, %arg2: memref<8192xi32, #tpu.memory_space<hbm>>, %arg3: memref<100000x1024xf32, #tpu.memory_space<hbm>>, %arg4: memref<1x8192x1024xf32, #tpu.memory_space<hbm>>, %arg5: memref<256xi32, #tpu.memory_space<vmem>>, %arg6: memref<32x1024xf32, #tpu.memory_space<vmem>>, %arg7: memref<32x1024xf32, #tpu.memory_space<vmem>>, %arg8: memref<32x1024xf32, #tpu.memory_space<vmem>>, %arg9: memref<!tpu.dma_semaphore, #tpu.memory_space<semaphore_mem>>, %arg10: memref<!tpu.dma_semaphore, #tpu.memory_space<semaphore_mem>>, %arg11: memref<!tpu.dma_semaphore, #tpu.memory_space<semaphore_mem>>, %arg12: memref<!tpu.dma_semaphore, #tpu.memory_space<semaphore_mem>>, %arg13: memref<!tpu.dma_semaphore, #tpu.memory_space<semaphore_mem>>, %arg14: memref<!tpu.dma_semaphore, #tpu.memory_space<semaphore_mem>>) attributes {dimension_semantics = [#tpu.dimension_semantics<core_parallel>, #tpu.dimension_semantics<subcore_parallel>], iteration_bounds = array<i64: 2, 16>, scalar_prefetch = 0 : i64, scratch_operands = 10 : i64, tpu.core_type = #tpu.core_type<sc_vector_subcore>, window_params = [{transform_indices = #map}, {transform_indices = #map1}, {transform_indices = #map2}]} {
    %mul3A = arith.constant 2 : i32
    %mul3A_0 = arith.muli %arg1, %mul3A : i32
    %add3A = arith.addi %mul3A_0, %arg0 : i32
    %mul3A_1 = arith.constant 256 : i32
    %mul3A_2 = arith.muli %add3A, %mul3A_1 : i32
    "tpu.region"() ({
      %run_scoped3A = tpu.sem_alloc : memref<!tpu.dma_semaphore, #tpu.memory_space<semaphore_mem>>
      %dma_start3A_213 = arith.constant 0 : i32
      %dma_start3A_214 = tpu.memref_slice %arg5[%dma_start3A_213] : memref<256xi32, #tpu.memory_space<vmem>> -> memref<32xi32, #tpu.memory_space<vmem>>
      %dma_start3A_215 = tpu.memref_slice %arg2[%mul3A_2] : memref<8192xi32, #tpu.memory_space<hbm>> -> memref<32xi32, #tpu.memory_space<hbm>>
      %dma_start3A_216 = arith.constant 0 : i32
      %dma_start3A_217 = tpu.memref_slice %arg5[%dma_start3A_216] : memref<256xi32, #tpu.memory_space<vmem>> -> memref<32xi32, #tpu.memory_space<vmem>>
      %dma_start3A_218 = tpu.memref_slice %arg2[%mul3A_2] : memref<8192xi32, #tpu.memory_space<hbm>> -> memref<32xi32, #tpu.memory_space<hbm>>
      tpu.enqueue_dma source(%dma_start3A_218 : memref<32xi32, #tpu.memory_space<hbm>>) target(%dma_start3A_217 : memref<32xi32, #tpu.memory_space<vmem>>) target_semaphore(%run_scoped3A : memref<!tpu.dma_semaphore, #tpu.memory_space<semaphore_mem>>)
      %dma_wait3A_219 = arith.constant 0 : i32
      %dma_wait3A_220 = tpu.memref_slice %arg5[%dma_wait3A_219] : memref<256xi32, #tpu.memory_space<vmem>> -> memref<32xi32, #tpu.memory_space<vmem>>
      %dma_wait3A_221 = tpu.memref_slice %arg2[%mul3A_2] : memref<8192xi32, #tpu.memory_space<hbm>> -> memref<32xi32, #tpu.memory_space<hbm>>
      %dma_wait3A_222 = arith.constant 0 : i32
      %dma_wait3A_223 = tpu.memref_slice %arg5[%dma_wait3A_222] : memref<256xi32, #tpu.memory_space<vmem>> -> memref<32xi32, #tpu.memory_space<vmem>>
      %dma_wait3A_224 = tpu.memref_slice %arg2[%mul3A_2] : memref<8192xi32, #tpu.memory_space<hbm>> -> memref<32xi32, #tpu.memory_space<hbm>>
      tpu.wait_dma2 semaphore(%run_scoped3A : memref<!tpu.dma_semaphore, #tpu.memory_space<semaphore_mem>>) src(%dma_wait3A_224 : memref<32xi32, #tpu.memory_space<hbm>>) dst(%dma_wait3A_223 : memref<32xi32, #tpu.memory_space<vmem>>)
      tpu.yield
    }) : () -> ()
    %dma_start3A = arith.constant 0 : i32
    %dma_start3A_3 = tpu.memref_slice %arg5[%dma_start3A] : memref<256xi32, #tpu.memory_space<vmem>> -> memref<32xi32, #tpu.memory_space<vmem>>
    %dma_start3A_4 = arith.constant 0 : i32
    %dma_start3A_5 = arith.constant 0 : i32
    %dma_start3A_6 = tpu.memref_slice %arg3[%dma_start3A_4, %dma_start3A_5] : memref<100000x1024xf32, #tpu.memory_space<hbm>> -> memref<100000x1024xf32, #tpu.memory_space<hbm>>
    tpu.enqueue_indirect_dma source(%dma_start3A_6 : memref<100000x1024xf32, #tpu.memory_space<hbm>>) target(%arg6 : memref<32x1024xf32, #tpu.memory_space<vmem>>) offsets(%dma_start3A_3 : memref<32xi32, #tpu.memory_space<vmem>>) semaphore(%arg9 : memref<!tpu.dma_semaphore, #tpu.memory_space<semaphore_mem>>)
    %add3A_7 = arith.constant 32 : i32
    %add3A_8 = arith.addi %mul3A_2, %add3A_7 : i32
    "tpu.region"() ({
      %run_scoped3A = tpu.sem_alloc : memref<!tpu.dma_semaphore, #tpu.memory_space<semaphore_mem>>
      %dma_start3A_213 = arith.constant 32 : i32
      %dma_start3A_214 = tpu.memref_slice %arg5[%dma_start3A_213] : memref<256xi32, #tpu.memory_space<vmem>> -> memref<32xi32, #tpu.memory_space<vmem>>
      %dma_start3A_215 = tpu.memref_slice %arg2[%add3A_8] : memref<8192xi32, #tpu.memory_space<hbm>> -> memref<32xi32, #tpu.memory_space<hbm>>
      %dma_start3A_216 = arith.constant 32 : i32
      %dma_start3A_217 = tpu.memref_slice %arg5[%dma_start3A_216] : memref<256xi32, #tpu.memory_space<vmem>> -> memref<32xi32, #tpu.memory_space<vmem>>
      %dma_start3A_218 = tpu.memref_slice %arg2[%add3A_8] : memref<8192xi32, #tpu.memory_space<hbm>> -> memref<32xi32, #tpu.memory_space<hbm>>
      tpu.enqueue_dma source(%dma_start3A_218 : memref<32xi32, #tpu.memory_space<hbm>>) target(%dma_start3A_217 : memref<32xi32, #tpu.memory_space<vmem>>) target_semaphore(%run_scoped3A : memref<!tpu.dma_semaphore, #tpu.memory_space<semaphore_mem>>)
      %dma_wait3A_219 = arith.constant 32 : i32
      %dma_wait3A_220 = tpu.memref_slice %arg5[%dma_wait3A_219] : memref<256xi32, #tpu.memory_space<vmem>> -> memref<32xi32, #tpu.memory_space<vmem>>
      %dma_wait3A_221 = tpu.memref_slice %arg2[%add3A_8] : memref<8192xi32, #tpu.memory_space<hbm>> -> memref<32xi32, #tpu.memory_space<hbm>>
      %dma_wait3A_222 = arith.constant 32 : i32
      %dma_wait3A_223 = tpu.memref_slice %arg5[%dma_wait3A_222] : memref<256xi32, #tpu.memory_space<vmem>> -> memref<32xi32, #tpu.memory_space<vmem>>
      %dma_wait3A_224 = tpu.memref_slice %arg2[%add3A_8] : memref<8192xi32, #tpu.memory_space<hbm>> -> memref<32xi32, #tpu.memory_space<hbm>>
      tpu.wait_dma2 semaphore(%run_scoped3A : memref<!tpu.dma_semaphore, #tpu.memory_space<semaphore_mem>>) src(%dma_wait3A_224 : memref<32xi32, #tpu.memory_space<hbm>>) dst(%dma_wait3A_223 : memref<32xi32, #tpu.memory_space<vmem>>)
      tpu.yield
    }) : () -> ()
    %dma_start3A_9 = arith.constant 32 : i32
    %dma_start3A_10 = tpu.memref_slice %arg5[%dma_start3A_9] : memref<256xi32, #tpu.memory_space<vmem>> -> memref<32xi32, #tpu.memory_space<vmem>>
    %dma_start3A_11 = arith.constant 0 : i32
    %dma_start3A_12 = arith.constant 0 : i32
    %dma_start3A_13 = tpu.memref_slice %arg3[%dma_start3A_11, %dma_start3A_12] : memref<100000x1024xf32, #tpu.memory_space<hbm>> -> memref<100000x1024xf32, #tpu.memory_space<hbm>>
    tpu.enqueue_indirect_dma source(%dma_start3A_13 : memref<100000x1024xf32, #tpu.memory_space<hbm>>) target(%arg7 : memref<32x1024xf32, #tpu.memory_space<vmem>>) offsets(%dma_start3A_10 : memref<32xi32, #tpu.memory_space<vmem>>) semaphore(%arg10 : memref<!tpu.dma_semaphore, #tpu.memory_space<semaphore_mem>>)
    %add3A_14 = arith.constant 64 : i32
    %add3A_15 = arith.addi %mul3A_2, %add3A_14 : i32
    "tpu.region"() ({
      %run_scoped3A = tpu.sem_alloc : memref<!tpu.dma_semaphore, #tpu.memory_space<semaphore_mem>>
      %dma_start3A_213 = arith.constant 64 : i32
      %dma_start3A_214 = tpu.memref_slice %arg5[%dma_start3A_213] : memref<256xi32, #tpu.memory_space<vmem>> -> memref<192xi32, #tpu.memory_space<vmem>>
      %dma_start3A_215 = tpu.memref_slice %arg2[%add3A_15] : memref<8192xi32, #tpu.memory_space<hbm>> -> memref<192xi32, #tpu.memory_space<hbm>>
      %dma_start3A_216 = arith.constant 64 : i32
      %dma_start3A_217 = tpu.memref_slice %arg5[%dma_start3A_216] : memref<256xi32, #tpu.memory_space<vmem>> -> memref<192xi32, #tpu.memory_space<vmem>>
      %dma_start3A_218 = tpu.memref_slice %arg2[%add3A_15] : memref<8192xi32, #tpu.memory_space<hbm>> -> memref<192xi32, #tpu.memory_space<hbm>>
      tpu.enqueue_dma source(%dma_start3A_218 : memref<192xi32, #tpu.memory_space<hbm>>) target(%dma_start3A_217 : memref<192xi32, #tpu.memory_space<vmem>>) target_semaphore(%run_scoped3A : memref<!tpu.dma_semaphore, #tpu.memory_space<semaphore_mem>>)
      %dma_wait3A_219 = arith.constant 64 : i32
      %dma_wait3A_220 = tpu.memref_slice %arg5[%dma_wait3A_219] : memref<256xi32, #tpu.memory_space<vmem>> -> memref<192xi32, #tpu.memory_space<vmem>>
      %dma_wait3A_221 = tpu.memref_slice %arg2[%add3A_15] : memref<8192xi32, #tpu.memory_space<hbm>> -> memref<192xi32, #tpu.memory_space<hbm>>
      %dma_wait3A_222 = arith.constant 64 : i32
      %dma_wait3A_223 = tpu.memref_slice %arg5[%dma_wait3A_222] : memref<256xi32, #tpu.memory_space<vmem>> -> memref<192xi32, #tpu.memory_space<vmem>>
      %dma_wait3A_224 = tpu.memref_slice %arg2[%add3A_15] : memref<8192xi32, #tpu.memory_space<hbm>> -> memref<192xi32, #tpu.memory_space<hbm>>
      tpu.wait_dma2 semaphore(%run_scoped3A : memref<!tpu.dma_semaphore, #tpu.memory_space<semaphore_mem>>) src(%dma_wait3A_224 : memref<192xi32, #tpu.memory_space<hbm>>) dst(%dma_wait3A_223 : memref<192xi32, #tpu.memory_space<vmem>>)
      tpu.yield
    }) : () -> ()
    %dma_start3A_16 = arith.constant 64 : i32
    %dma_start3A_17 = tpu.memref_slice %arg5[%dma_start3A_16] : memref<256xi32, #tpu.memory_space<vmem>> -> memref<32xi32, #tpu.memory_space<vmem>>
    %dma_start3A_18 = arith.constant 0 : i32
    %dma_start3A_19 = arith.constant 0 : i32
    %dma_start3A_20 = tpu.memref_slice %arg3[%dma_start3A_18, %dma_start3A_19] : memref<100000x1024xf32, #tpu.memory_space<hbm>> -> memref<100000x1024xf32, #tpu.memory_space<hbm>>
    tpu.enqueue_indirect_dma source(%dma_start3A_20 : memref<100000x1024xf32, #tpu.memory_space<hbm>>) target(%arg8 : memref<32x1024xf32, #tpu.memory_space<vmem>>) offsets(%dma_start3A_17 : memref<32xi32, #tpu.memory_space<vmem>>) semaphore(%arg11 : memref<!tpu.dma_semaphore, #tpu.memory_space<semaphore_mem>>)
    %dma_wait3A = arith.constant 0 : i32
    %dma_wait3A_21 = tpu.memref_slice %arg5[%dma_wait3A] : memref<256xi32, #tpu.memory_space<vmem>> -> memref<32xi32, #tpu.memory_space<vmem>>
    %dma_wait3A_22 = arith.constant 0 : i32
    %dma_wait3A_23 = arith.constant 0 : i32
    %dma_wait3A_24 = tpu.memref_slice %arg3[%dma_wait3A_22, %dma_wait3A_23] : memref<100000x1024xf32, #tpu.memory_space<hbm>> -> memref<100000x1024xf32, #tpu.memory_space<hbm>>
    tpu.wait_indirect_dma semaphore(%arg9 : memref<!tpu.dma_semaphore, #tpu.memory_space<semaphore_mem>>) src(%dma_wait3A_24 : memref<100000x1024xf32, #tpu.memory_space<hbm>>) dst(%arg6 : memref<32x1024xf32, #tpu.memory_space<vmem>>)
    %add3A_25 = arith.constant 0 : i32
    %add3A_26 = arith.addi %mul3A_2, %add3A_25 : i32
    %dma_start3A_27 = arith.constant 0 : i32
    %dma_start3A_28 = arith.constant 0 : i32
    %dma_start3A_29 = tpu.memref_slice %arg4[%dma_start3A_27, %add3A_26, %dma_start3A_28] : memref<1x8192x1024xf32, #tpu.memory_space<hbm>> -> memref<1x32x1024xf32, #tpu.memory_space<hbm>>
    %dma_start3A_30 = tpu.memref_squeeze %dma_start3A_29 : memref<1x32x1024xf32, #tpu.memory_space<hbm>> -> memref<32x1024xf32, #tpu.memory_space<hbm>>
    %dma_start3A_31 = arith.constant 0 : i32
    %dma_start3A_32 = tpu.memref_slice %arg4[%dma_start3A_27, %add3A_26, %dma_start3A_31] : memref<1x8192x1024xf32, #tpu.memory_space<hbm>> -> memref<1x32x1024xf32, #tpu.memory_space<hbm>>
    %dma_start3A_33 = tpu.memref_squeeze %dma_start3A_32 : memref<1x32x1024xf32, #tpu.memory_space<hbm>> -> memref<32x1024xf32, #tpu.memory_space<hbm>>
    tpu.enqueue_dma source(%arg6 : memref<32x1024xf32, #tpu.memory_space<vmem>>) target(%dma_start3A_33 : memref<32x1024xf32, #tpu.memory_space<hbm>>) target_semaphore(%arg12 : memref<!tpu.dma_semaphore, #tpu.memory_space<semaphore_mem>>)
    %dma_wait3A_34 = arith.constant 0 : i32
    %dma_wait3A_35 = arith.constant 0 : i32
    %dma_wait3A_36 = tpu.memref_slice %arg4[%dma_wait3A_34, %add3A_26, %dma_wait3A_35] : memref<1x8192x1024xf32, #tpu.memory_space<hbm>> -> memref<1x32x1024xf32, #tpu.memory_space<hbm>>
    %dma_wait3A_37 = tpu.memref_squeeze %dma_wait3A_36 : memref<1x32x1024xf32, #tpu.memory_space<hbm>> -> memref<32x1024xf32, #tpu.memory_space<hbm>>
    %dma_wait3A_38 = arith.constant 0 : i32
    %dma_wait3A_39 = tpu.memref_slice %arg4[%dma_wait3A_34, %add3A_26, %dma_wait3A_38] : memref<1x8192x1024xf32, #tpu.memory_space<hbm>> -> memref<1x32x1024xf32, #tpu.memory_space<hbm>>
    %dma_wait3A_40 = tpu.memref_squeeze %dma_wait3A_39 : memref<1x32x1024xf32, #tpu.memory_space<hbm>> -> memref<32x1024xf32, #tpu.memory_space<hbm>>
    tpu.wait_dma2 semaphore(%arg12 : memref<!tpu.dma_semaphore, #tpu.memory_space<semaphore_mem>>) src(%arg6 : memref<32x1024xf32, #tpu.memory_space<vmem>>) dst(%dma_wait3A_40 : memref<32x1024xf32, #tpu.memory_space<hbm>>)
    %dma_start3A_41 = arith.constant 96 : i32
    %dma_start3A_42 = tpu.memref_slice %arg5[%dma_start3A_41] : memref<256xi32, #tpu.memory_space<vmem>> -> memref<32xi32, #tpu.memory_space<vmem>>
    %dma_start3A_43 = arith.constant 0 : i32
    %dma_start3A_44 = arith.constant 0 : i32
    %dma_start3A_45 = tpu.memref_slice %arg3[%dma_start3A_43, %dma_start3A_44] : memref<100000x1024xf32, #tpu.memory_space<hbm>> -> memref<100000x1024xf32, #tpu.memory_space<hbm>>
    tpu.enqueue_indirect_dma source(%dma_start3A_45 : memref<100000x1024xf32, #tpu.memory_space<hbm>>) target(%arg6 : memref<32x1024xf32, #tpu.memory_space<vmem>>) offsets(%dma_start3A_42 : memref<32xi32, #tpu.memory_space<vmem>>) semaphore(%arg9 : memref<!tpu.dma_semaphore, #tpu.memory_space<semaphore_mem>>)
    %dma_wait3A_46 = arith.constant 32 : i32
    %dma_wait3A_47 = tpu.memref_slice %arg5[%dma_wait3A_46] : memref<256xi32, #tpu.memory_space<vmem>> -> memref<32xi32, #tpu.memory_space<vmem>>
    %dma_wait3A_48 = arith.constant 0 : i32
    %dma_wait3A_49 = arith.constant 0 : i32
    %dma_wait3A_50 = tpu.memref_slice %arg3[%dma_wait3A_48, %dma_wait3A_49] : memref<100000x1024xf32, #tpu.memory_space<hbm>> -> memref<100000x1024xf32, #tpu.memory_space<hbm>>
    tpu.wait_indirect_dma semaphore(%arg10 : memref<!tpu.dma_semaphore, #tpu.memory_space<semaphore_mem>>) src(%dma_wait3A_50 : memref<100000x1024xf32, #tpu.memory_space<hbm>>) dst(%arg7 : memref<32x1024xf32, #tpu.memory_space<vmem>>)
    %add3A_51 = arith.constant 32 : i32
    %add3A_52 = arith.addi %mul3A_2, %add3A_51 : i32
    %dma_start3A_53 = arith.constant 0 : i32
    %dma_start3A_54 = arith.constant 0 : i32
    %dma_start3A_55 = tpu.memref_slice %arg4[%dma_start3A_53, %add3A_52, %dma_start3A_54] : memref<1x8192x1024xf32, #tpu.memory_space<hbm>> -> memref<1x32x1024xf32, #tpu.memory_space<hbm>>
    %dma_start3A_56 = tpu.memref_squeeze %dma_start3A_55 : memref<1x32x1024xf32, #tpu.memory_space<hbm>> -> memref<32x1024xf32, #tpu.memory_space<hbm>>
    %dma_start3A_57 = arith.constant 0 : i32
    %dma_start3A_58 = tpu.memref_slice %arg4[%dma_start3A_53, %add3A_52, %dma_start3A_57] : memref<1x8192x1024xf32, #tpu.memory_space<hbm>> -> memref<1x32x1024xf32, #tpu.memory_space<hbm>>
    %dma_start3A_59 = tpu.memref_squeeze %dma_start3A_58 : memref<1x32x1024xf32, #tpu.memory_space<hbm>> -> memref<32x1024xf32, #tpu.memory_space<hbm>>
    tpu.enqueue_dma source(%arg7 : memref<32x1024xf32, #tpu.memory_space<vmem>>) target(%dma_start3A_59 : memref<32x1024xf32, #tpu.memory_space<hbm>>) target_semaphore(%arg13 : memref<!tpu.dma_semaphore, #tpu.memory_space<semaphore_mem>>)
    %dma_wait3A_60 = arith.constant 0 : i32
    %dma_wait3A_61 = arith.constant 0 : i32
    %dma_wait3A_62 = tpu.memref_slice %arg4[%dma_wait3A_60, %add3A_52, %dma_wait3A_61] : memref<1x8192x1024xf32, #tpu.memory_space<hbm>> -> memref<1x32x1024xf32, #tpu.memory_space<hbm>>
    %dma_wait3A_63 = tpu.memref_squeeze %dma_wait3A_62 : memref<1x32x1024xf32, #tpu.memory_space<hbm>> -> memref<32x1024xf32, #tpu.memory_space<hbm>>
    %dma_wait3A_64 = arith.constant 0 : i32
    %dma_wait3A_65 = tpu.memref_slice %arg4[%dma_wait3A_60, %add3A_52, %dma_wait3A_64] : memref<1x8192x1024xf32, #tpu.memory_space<hbm>> -> memref<1x32x1024xf32, #tpu.memory_space<hbm>>
    %dma_wait3A_66 = tpu.memref_squeeze %dma_wait3A_65 : memref<1x32x1024xf32, #tpu.memory_space<hbm>> -> memref<32x1024xf32, #tpu.memory_space<hbm>>
    tpu.wait_dma2 semaphore(%arg13 : memref<!tpu.dma_semaphore, #tpu.memory_space<semaphore_mem>>) src(%arg7 : memref<32x1024xf32, #tpu.memory_space<vmem>>) dst(%dma_wait3A_66 : memref<32x1024xf32, #tpu.memory_space<hbm>>)
    %dma_start3A_67 = arith.constant 128 : i32
    %dma_start3A_68 = tpu.memref_slice %arg5[%dma_start3A_67] : memref<256xi32, #tpu.memory_space<vmem>> -> memref<32xi32, #tpu.memory_space<vmem>>
    %dma_start3A_69 = arith.constant 0 : i32
    %dma_start3A_70 = arith.constant 0 : i32
    %dma_start3A_71 = tpu.memref_slice %arg3[%dma_start3A_69, %dma_start3A_70] : memref<100000x1024xf32, #tpu.memory_space<hbm>> -> memref<100000x1024xf32, #tpu.memory_space<hbm>>
    tpu.enqueue_indirect_dma source(%dma_start3A_71 : memref<100000x1024xf32, #tpu.memory_space<hbm>>) target(%arg7 : memref<32x1024xf32, #tpu.memory_space<vmem>>) offsets(%dma_start3A_68 : memref<32xi32, #tpu.memory_space<vmem>>) semaphore(%arg10 : memref<!tpu.dma_semaphore, #tpu.memory_space<semaphore_mem>>)
    %dma_wait3A_72 = arith.constant 64 : i32
    %dma_wait3A_73 = tpu.memref_slice %arg5[%dma_wait3A_72] : memref<256xi32, #tpu.memory_space<vmem>> -> memref<32xi32, #tpu.memory_space<vmem>>
    %dma_wait3A_74 = arith.constant 0 : i32
    %dma_wait3A_75 = arith.constant 0 : i32
    %dma_wait3A_76 = tpu.memref_slice %arg3[%dma_wait3A_74, %dma_wait3A_75] : memref<100000x1024xf32, #tpu.memory_space<hbm>> -> memref<100000x1024xf32, #tpu.memory_space<hbm>>
    tpu.wait_indirect_dma semaphore(%arg11 : memref<!tpu.dma_semaphore, #tpu.memory_space<semaphore_mem>>) src(%dma_wait3A_76 : memref<100000x1024xf32, #tpu.memory_space<hbm>>) dst(%arg8 : memref<32x1024xf32, #tpu.memory_space<vmem>>)
    %add3A_77 = arith.constant 64 : i32
    %add3A_78 = arith.addi %mul3A_2, %add3A_77 : i32
    %dma_start3A_79 = arith.constant 0 : i32
    %dma_start3A_80 = arith.constant 0 : i32
    %dma_start3A_81 = tpu.memref_slice %arg4[%dma_start3A_79, %add3A_78, %dma_start3A_80] : memref<1x8192x1024xf32, #tpu.memory_space<hbm>> -> memref<1x32x1024xf32, #tpu.memory_space<hbm>>
    %dma_start3A_82 = tpu.memref_squeeze %dma_start3A_81 : memref<1x32x1024xf32, #tpu.memory_space<hbm>> -> memref<32x1024xf32, #tpu.memory_space<hbm>>
    %dma_start3A_83 = arith.constant 0 : i32
    %dma_start3A_84 = tpu.memref_slice %arg4[%dma_start3A_79, %add3A_78, %dma_start3A_83] : memref<1x8192x1024xf32, #tpu.memory_space<hbm>> -> memref<1x32x1024xf32, #tpu.memory_space<hbm>>
    %dma_start3A_85 = tpu.memref_squeeze %dma_start3A_84 : memref<1x32x1024xf32, #tpu.memory_space<hbm>> -> memref<32x1024xf32, #tpu.memory_space<hbm>>
    tpu.enqueue_dma source(%arg8 : memref<32x1024xf32, #tpu.memory_space<vmem>>) target(%dma_start3A_85 : memref<32x1024xf32, #tpu.memory_space<hbm>>) target_semaphore(%arg14 : memref<!tpu.dma_semaphore, #tpu.memory_space<semaphore_mem>>)
    %dma_wait3A_86 = arith.constant 0 : i32
    %dma_wait3A_87 = arith.constant 0 : i32
    %dma_wait3A_88 = tpu.memref_slice %arg4[%dma_wait3A_86, %add3A_78, %dma_wait3A_87] : memref<1x8192x1024xf32, #tpu.memory_space<hbm>> -> memref<1x32x1024xf32, #tpu.memory_space<hbm>>
    %dma_wait3A_89 = tpu.memref_squeeze %dma_wait3A_88 : memref<1x32x1024xf32, #tpu.memory_space<hbm>> -> memref<32x1024xf32, #tpu.memory_space<hbm>>
    %dma_wait3A_90 = arith.constant 0 : i32
    %dma_wait3A_91 = tpu.memref_slice %arg4[%dma_wait3A_86, %add3A_78, %dma_wait3A_90] : memref<1x8192x1024xf32, #tpu.memory_space<hbm>> -> memref<1x32x1024xf32, #tpu.memory_space<hbm>>
    %dma_wait3A_92 = tpu.memref_squeeze %dma_wait3A_91 : memref<1x32x1024xf32, #tpu.memory_space<hbm>> -> memref<32x1024xf32, #tpu.memory_space<hbm>>
    tpu.wait_dma2 semaphore(%arg14 : memref<!tpu.dma_semaphore, #tpu.memory_space<semaphore_mem>>) src(%arg8 : memref<32x1024xf32, #tpu.memory_space<vmem>>) dst(%dma_wait3A_92 : memref<32x1024xf32, #tpu.memory_space<hbm>>)
    %dma_start3A_93 = arith.constant 160 : i32
    %dma_start3A_94 = tpu.memref_slice %arg5[%dma_start3A_93] : memref<256xi32, #tpu.memory_space<vmem>> -> memref<32xi32, #tpu.memory_space<vmem>>
    %dma_start3A_95 = arith.constant 0 : i32
    %dma_start3A_96 = arith.constant 0 : i32
    %dma_start3A_97 = tpu.memref_slice %arg3[%dma_start3A_95, %dma_start3A_96] : memref<100000x1024xf32, #tpu.memory_space<hbm>> -> memref<100000x1024xf32, #tpu.memory_space<hbm>>
    tpu.enqueue_indirect_dma source(%dma_start3A_97 : memref<100000x1024xf32, #tpu.memory_space<hbm>>) target(%arg8 : memref<32x1024xf32, #tpu.memory_space<vmem>>) offsets(%dma_start3A_94 : memref<32xi32, #tpu.memory_space<vmem>>) semaphore(%arg11 : memref<!tpu.dma_semaphore, #tpu.memory_space<semaphore_mem>>)
    %dma_wait3A_98 = arith.constant 96 : i32
    %dma_wait3A_99 = tpu.memref_slice %arg5[%dma_wait3A_98] : memref<256xi32, #tpu.memory_space<vmem>> -> memref<32xi32, #tpu.memory_space<vmem>>
    %dma_wait3A_100 = arith.constant 0 : i32
    %dma_wait3A_101 = arith.constant 0 : i32
    %dma_wait3A_102 = tpu.memref_slice %arg3[%dma_wait3A_100, %dma_wait3A_101] : memref<100000x1024xf32, #tpu.memory_space<hbm>> -> memref<100000x1024xf32, #tpu.memory_space<hbm>>
    tpu.wait_indirect_dma semaphore(%arg9 : memref<!tpu.dma_semaphore, #tpu.memory_space<semaphore_mem>>) src(%dma_wait3A_102 : memref<100000x1024xf32, #tpu.memory_space<hbm>>) dst(%arg6 : memref<32x1024xf32, #tpu.memory_space<vmem>>)
    %add3A_103 = arith.constant 96 : i32
    %add3A_104 = arith.addi %mul3A_2, %add3A_103 : i32
    %dma_start3A_105 = arith.constant 0 : i32
    %dma_start3A_106 = arith.constant 0 : i32
    %dma_start3A_107 = tpu.memref_slice %arg4[%dma_start3A_105, %add3A_104, %dma_start3A_106] : memref<1x8192x1024xf32, #tpu.memory_space<hbm>> -> memref<1x32x1024xf32, #tpu.memory_space<hbm>>
    %dma_start3A_108 = tpu.memref_squeeze %dma_start3A_107 : memref<1x32x1024xf32, #tpu.memory_space<hbm>> -> memref<32x1024xf32, #tpu.memory_space<hbm>>
    %dma_start3A_109 = arith.constant 0 : i32
    %dma_start3A_110 = tpu.memref_slice %arg4[%dma_start3A_105, %add3A_104, %dma_start3A_109] : memref<1x8192x1024xf32, #tpu.memory_space<hbm>> -> memref<1x32x1024xf32, #tpu.memory_space<hbm>>
    %dma_start3A_111 = tpu.memref_squeeze %dma_start3A_110 : memref<1x32x1024xf32, #tpu.memory_space<hbm>> -> memref<32x1024xf32, #tpu.memory_space<hbm>>
    tpu.enqueue_dma source(%arg6 : memref<32x1024xf32, #tpu.memory_space<vmem>>) target(%dma_start3A_111 : memref<32x1024xf32, #tpu.memory_space<hbm>>) target_semaphore(%arg12 : memref<!tpu.dma_semaphore, #tpu.memory_space<semaphore_mem>>)
    %dma_wait3A_112 = arith.constant 0 : i32
    %dma_wait3A_113 = arith.constant 0 : i32
    %dma_wait3A_114 = tpu.memref_slice %arg4[%dma_wait3A_112, %add3A_104, %dma_wait3A_113] : memref<1x8192x1024xf32, #tpu.memory_space<hbm>> -> memref<1x32x1024xf32, #tpu.memory_space<hbm>>
    %dma_wait3A_115 = tpu.memref_squeeze %dma_wait3A_114 : memref<1x32x1024xf32, #tpu.memory_space<hbm>> -> memref<32x1024xf32, #tpu.memory_space<hbm>>
    %dma_wait3A_116 = arith.constant 0 : i32
    %dma_wait3A_117 = tpu.memref_slice %arg4[%dma_wait3A_112, %add3A_104, %dma_wait3A_116] : memref<1x8192x1024xf32, #tpu.memory_space<hbm>> -> memref<1x32x1024xf32, #tpu.memory_space<hbm>>
    %dma_wait3A_118 = tpu.memref_squeeze %dma_wait3A_117 : memref<1x32x1024xf32, #tpu.memory_space<hbm>> -> memref<32x1024xf32, #tpu.memory_space<hbm>>
    tpu.wait_dma2 semaphore(%arg12 : memref<!tpu.dma_semaphore, #tpu.memory_space<semaphore_mem>>) src(%arg6 : memref<32x1024xf32, #tpu.memory_space<vmem>>) dst(%dma_wait3A_118 : memref<32x1024xf32, #tpu.memory_space<hbm>>)
    %dma_start3A_119 = arith.constant 192 : i32
    %dma_start3A_120 = tpu.memref_slice %arg5[%dma_start3A_119] : memref<256xi32, #tpu.memory_space<vmem>> -> memref<32xi32, #tpu.memory_space<vmem>>
    %dma_start3A_121 = arith.constant 0 : i32
    %dma_start3A_122 = arith.constant 0 : i32
    %dma_start3A_123 = tpu.memref_slice %arg3[%dma_start3A_121, %dma_start3A_122] : memref<100000x1024xf32, #tpu.memory_space<hbm>> -> memref<100000x1024xf32, #tpu.memory_space<hbm>>
    tpu.enqueue_indirect_dma source(%dma_start3A_123 : memref<100000x1024xf32, #tpu.memory_space<hbm>>) target(%arg6 : memref<32x1024xf32, #tpu.memory_space<vmem>>) offsets(%dma_start3A_120 : memref<32xi32, #tpu.memory_space<vmem>>) semaphore(%arg9 : memref<!tpu.dma_semaphore, #tpu.memory_space<semaphore_mem>>)
    %dma_wait3A_124 = arith.constant 128 : i32
    %dma_wait3A_125 = tpu.memref_slice %arg5[%dma_wait3A_124] : memref<256xi32, #tpu.memory_space<vmem>> -> memref<32xi32, #tpu.memory_space<vmem>>
    %dma_wait3A_126 = arith.constant 0 : i32
    %dma_wait3A_127 = arith.constant 0 : i32
    %dma_wait3A_128 = tpu.memref_slice %arg3[%dma_wait3A_126, %dma_wait3A_127] : memref<100000x1024xf32, #tpu.memory_space<hbm>> -> memref<100000x1024xf32, #tpu.memory_space<hbm>>
    tpu.wait_indirect_dma semaphore(%arg10 : memref<!tpu.dma_semaphore, #tpu.memory_space<semaphore_mem>>) src(%dma_wait3A_128 : memref<100000x1024xf32, #tpu.memory_space<hbm>>) dst(%arg7 : memref<32x1024xf32, #tpu.memory_space<vmem>>)
    %add3A_129 = arith.constant 128 : i32
    %add3A_130 = arith.addi %mul3A_2, %add3A_129 : i32
    %dma_start3A_131 = arith.constant 0 : i32
    %dma_start3A_132 = arith.constant 0 : i32
    %dma_start3A_133 = tpu.memref_slice %arg4[%dma_start3A_131, %add3A_130, %dma_start3A_132] : memref<1x8192x1024xf32, #tpu.memory_space<hbm>> -> memref<1x32x1024xf32, #tpu.memory_space<hbm>>
    %dma_start3A_134 = tpu.memref_squeeze %dma_start3A_133 : memref<1x32x1024xf32, #tpu.memory_space<hbm>> -> memref<32x1024xf32, #tpu.memory_space<hbm>>
    %dma_start3A_135 = arith.constant 0 : i32
    %dma_start3A_136 = tpu.memref_slice %arg4[%dma_start3A_131, %add3A_130, %dma_start3A_135] : memref<1x8192x1024xf32, #tpu.memory_space<hbm>> -> memref<1x32x1024xf32, #tpu.memory_space<hbm>>
    %dma_start3A_137 = tpu.memref_squeeze %dma_start3A_136 : memref<1x32x1024xf32, #tpu.memory_space<hbm>> -> memref<32x1024xf32, #tpu.memory_space<hbm>>
    tpu.enqueue_dma source(%arg7 : memref<32x1024xf32, #tpu.memory_space<vmem>>) target(%dma_start3A_137 : memref<32x1024xf32, #tpu.memory_space<hbm>>) target_semaphore(%arg13 : memref<!tpu.dma_semaphore, #tpu.memory_space<semaphore_mem>>)
    %dma_wait3A_138 = arith.constant 0 : i32
    %dma_wait3A_139 = arith.constant 0 : i32
    %dma_wait3A_140 = tpu.memref_slice %arg4[%dma_wait3A_138, %add3A_130, %dma_wait3A_139] : memref<1x8192x1024xf32, #tpu.memory_space<hbm>> -> memref<1x32x1024xf32, #tpu.memory_space<hbm>>
    %dma_wait3A_141 = tpu.memref_squeeze %dma_wait3A_140 : memref<1x32x1024xf32, #tpu.memory_space<hbm>> -> memref<32x1024xf32, #tpu.memory_space<hbm>>
    %dma_wait3A_142 = arith.constant 0 : i32
    %dma_wait3A_143 = tpu.memref_slice %arg4[%dma_wait3A_138, %add3A_130, %dma_wait3A_142] : memref<1x8192x1024xf32, #tpu.memory_space<hbm>> -> memref<1x32x1024xf32, #tpu.memory_space<hbm>>
    %dma_wait3A_144 = tpu.memref_squeeze %dma_wait3A_143 : memref<1x32x1024xf32, #tpu.memory_space<hbm>> -> memref<32x1024xf32, #tpu.memory_space<hbm>>
    tpu.wait_dma2 semaphore(%arg13 : memref<!tpu.dma_semaphore, #tpu.memory_space<semaphore_mem>>) src(%arg7 : memref<32x1024xf32, #tpu.memory_space<vmem>>) dst(%dma_wait3A_144 : memref<32x1024xf32, #tpu.memory_space<hbm>>)
    %dma_start3A_145 = arith.constant 224 : i32
    %dma_start3A_146 = tpu.memref_slice %arg5[%dma_start3A_145] : memref<256xi32, #tpu.memory_space<vmem>> -> memref<32xi32, #tpu.memory_space<vmem>>
    %dma_start3A_147 = arith.constant 0 : i32
    %dma_start3A_148 = arith.constant 0 : i32
    %dma_start3A_149 = tpu.memref_slice %arg3[%dma_start3A_147, %dma_start3A_148] : memref<100000x1024xf32, #tpu.memory_space<hbm>> -> memref<100000x1024xf32, #tpu.memory_space<hbm>>
    tpu.enqueue_indirect_dma source(%dma_start3A_149 : memref<100000x1024xf32, #tpu.memory_space<hbm>>) target(%arg7 : memref<32x1024xf32, #tpu.memory_space<vmem>>) offsets(%dma_start3A_146 : memref<32xi32, #tpu.memory_space<vmem>>) semaphore(%arg10 : memref<!tpu.dma_semaphore, #tpu.memory_space<semaphore_mem>>)
    %dma_wait3A_150 = arith.constant 160 : i32
    %dma_wait3A_151 = tpu.memref_slice %arg5[%dma_wait3A_150] : memref<256xi32, #tpu.memory_space<vmem>> -> memref<32xi32, #tpu.memory_space<vmem>>
    %dma_wait3A_152 = arith.constant 0 : i32
    %dma_wait3A_153 = arith.constant 0 : i32
    %dma_wait3A_154 = tpu.memref_slice %arg3[%dma_wait3A_152, %dma_wait3A_153] : memref<100000x1024xf32, #tpu.memory_space<hbm>> -> memref<100000x1024xf32, #tpu.memory_space<hbm>>
    tpu.wait_indirect_dma semaphore(%arg11 : memref<!tpu.dma_semaphore, #tpu.memory_space<semaphore_mem>>) src(%dma_wait3A_154 : memref<100000x1024xf32, #tpu.memory_space<hbm>>) dst(%arg8 : memref<32x1024xf32, #tpu.memory_space<vmem>>)
    %add3A_155 = arith.constant 160 : i32
    %add3A_156 = arith.addi %mul3A_2, %add3A_155 : i32
    %dma_start3A_157 = arith.constant 0 : i32
    %dma_start3A_158 = arith.constant 0 : i32
    %dma_start3A_159 = tpu.memref_slice %arg4[%dma_start3A_157, %add3A_156, %dma_start3A_158] : memref<1x8192x1024xf32, #tpu.memory_space<hbm>> -> memref<1x32x1024xf32, #tpu.memory_space<hbm>>
    %dma_start3A_160 = tpu.memref_squeeze %dma_start3A_159 : memref<1x32x1024xf32, #tpu.memory_space<hbm>> -> memref<32x1024xf32, #tpu.memory_space<hbm>>
    %dma_start3A_161 = arith.constant 0 : i32
    %dma_start3A_162 = tpu.memref_slice %arg4[%dma_start3A_157, %add3A_156, %dma_start3A_161] : memref<1x8192x1024xf32, #tpu.memory_space<hbm>> -> memref<1x32x1024xf32, #tpu.memory_space<hbm>>
    %dma_start3A_163 = tpu.memref_squeeze %dma_start3A_162 : memref<1x32x1024xf32, #tpu.memory_space<hbm>> -> memref<32x1024xf32, #tpu.memory_space<hbm>>
    tpu.enqueue_dma source(%arg8 : memref<32x1024xf32, #tpu.memory_space<vmem>>) target(%dma_start3A_163 : memref<32x1024xf32, #tpu.memory_space<hbm>>) target_semaphore(%arg14 : memref<!tpu.dma_semaphore, #tpu.memory_space<semaphore_mem>>)
    %dma_wait3A_164 = arith.constant 192 : i32
    %dma_wait3A_165 = tpu.memref_slice %arg5[%dma_wait3A_164] : memref<256xi32, #tpu.memory_space<vmem>> -> memref<32xi32, #tpu.memory_space<vmem>>
    %dma_wait3A_166 = arith.constant 0 : i32
    %dma_wait3A_167 = arith.constant 0 : i32
    %dma_wait3A_168 = tpu.memref_slice %arg3[%dma_wait3A_166, %dma_wait3A_167] : memref<100000x1024xf32, #tpu.memory_space<hbm>> -> memref<100000x1024xf32, #tpu.memory_space<hbm>>
    tpu.wait_indirect_dma semaphore(%arg9 : memref<!tpu.dma_semaphore, #tpu.memory_space<semaphore_mem>>) src(%dma_wait3A_168 : memref<100000x1024xf32, #tpu.memory_space<hbm>>) dst(%arg6 : memref<32x1024xf32, #tpu.memory_space<vmem>>)
    %add3A_169 = arith.constant 192 : i32
    %add3A_170 = arith.addi %mul3A_2, %add3A_169 : i32
    %dma_start3A_171 = arith.constant 0 : i32
    %dma_start3A_172 = arith.constant 0 : i32
    %dma_start3A_173 = tpu.memref_slice %arg4[%dma_start3A_171, %add3A_170, %dma_start3A_172] : memref<1x8192x1024xf32, #tpu.memory_space<hbm>> -> memref<1x32x1024xf32, #tpu.memory_space<hbm>>
    %dma_start3A_174 = tpu.memref_squeeze %dma_start3A_173 : memref<1x32x1024xf32, #tpu.memory_space<hbm>> -> memref<32x1024xf32, #tpu.memory_space<hbm>>
    %dma_start3A_175 = arith.constant 0 : i32
    %dma_start3A_176 = tpu.memref_slice %arg4[%dma_start3A_171, %add3A_170, %dma_start3A_175] : memref<1x8192x1024xf32, #tpu.memory_space<hbm>> -> memref<1x32x1024xf32, #tpu.memory_space<hbm>>
    %dma_start3A_177 = tpu.memref_squeeze %dma_start3A_176 : memref<1x32x1024xf32, #tpu.memory_space<hbm>> -> memref<32x1024xf32, #tpu.memory_space<hbm>>
    tpu.enqueue_dma source(%arg6 : memref<32x1024xf32, #tpu.memory_space<vmem>>) target(%dma_start3A_177 : memref<32x1024xf32, #tpu.memory_space<hbm>>) target_semaphore(%arg12 : memref<!tpu.dma_semaphore, #tpu.memory_space<semaphore_mem>>)
    %dma_wait3A_178 = arith.constant 224 : i32
    %dma_wait3A_179 = tpu.memref_slice %arg5[%dma_wait3A_178] : memref<256xi32, #tpu.memory_space<vmem>> -> memref<32xi32, #tpu.memory_space<vmem>>
    %dma_wait3A_180 = arith.constant 0 : i32
    %dma_wait3A_181 = arith.constant 0 : i32
    %dma_wait3A_182 = tpu.memref_slice %arg3[%dma_wait3A_180, %dma_wait3A_181] : memref<100000x1024xf32, #tpu.memory_space<hbm>> -> memref<100000x1024xf32, #tpu.memory_space<hbm>>
    tpu.wait_indirect_dma semaphore(%arg10 : memref<!tpu.dma_semaphore, #tpu.memory_space<semaphore_mem>>) src(%dma_wait3A_182 : memref<100000x1024xf32, #tpu.memory_space<hbm>>) dst(%arg7 : memref<32x1024xf32, #tpu.memory_space<vmem>>)
    %add3A_183 = arith.constant 224 : i32
    %add3A_184 = arith.addi %mul3A_2, %add3A_183 : i32
    %dma_start3A_185 = arith.constant 0 : i32
    %dma_start3A_186 = arith.constant 0 : i32
    %dma_start3A_187 = tpu.memref_slice %arg4[%dma_start3A_185, %add3A_184, %dma_start3A_186] : memref<1x8192x1024xf32, #tpu.memory_space<hbm>> -> memref<1x32x1024xf32, #tpu.memory_space<hbm>>
    %dma_start3A_188 = tpu.memref_squeeze %dma_start3A_187 : memref<1x32x1024xf32, #tpu.memory_space<hbm>> -> memref<32x1024xf32, #tpu.memory_space<hbm>>
    %dma_start3A_189 = arith.constant 0 : i32
    %dma_start3A_190 = tpu.memref_slice %arg4[%dma_start3A_185, %add3A_184, %dma_start3A_189] : memref<1x8192x1024xf32, #tpu.memory_space<hbm>> -> memref<1x32x1024xf32, #tpu.memory_space<hbm>>
    %dma_start3A_191 = tpu.memref_squeeze %dma_start3A_190 : memref<1x32x1024xf32, #tpu.memory_space<hbm>> -> memref<32x1024xf32, #tpu.memory_space<hbm>>
    tpu.enqueue_dma source(%arg7 : memref<32x1024xf32, #tpu.memory_space<vmem>>) target(%dma_start3A_191 : memref<32x1024xf32, #tpu.memory_space<hbm>>) target_semaphore(%arg13 : memref<!tpu.dma_semaphore, #tpu.memory_space<semaphore_mem>>)
    %dma_wait3A_192 = arith.constant 0 : i32
    %dma_wait3A_193 = arith.constant 0 : i32
    %dma_wait3A_194 = tpu.memref_slice %arg4[%dma_wait3A_192, %add3A_156, %dma_wait3A_193] : memref<1x8192x1024xf32, #tpu.memory_space<hbm>> -> memref<1x32x1024xf32, #tpu.memory_space<hbm>>
    %dma_wait3A_195 = tpu.memref_squeeze %dma_wait3A_194 : memref<1x32x1024xf32, #tpu.memory_space<hbm>> -> memref<32x1024xf32, #tpu.memory_space<hbm>>
    %dma_wait3A_196 = arith.constant 0 : i32
    %dma_wait3A_197 = tpu.memref_slice %arg4[%dma_wait3A_192, %add3A_156, %dma_wait3A_196] : memref<1x8192x1024xf32, #tpu.memory_space<hbm>> -> memref<1x32x1024xf32, #tpu.memory_space<hbm>>
    %dma_wait3A_198 = tpu.memref_squeeze %dma_wait3A_197 : memref<1x32x1024xf32, #tpu.memory_space<hbm>> -> memref<32x1024xf32, #tpu.memory_space<hbm>>
    tpu.wait_dma2 semaphore(%arg14 : memref<!tpu.dma_semaphore, #tpu.memory_space<semaphore_mem>>) src(%arg8 : memref<32x1024xf32, #tpu.memory_space<vmem>>) dst(%dma_wait3A_198 : memref<32x1024xf32, #tpu.memory_space<hbm>>)
    %dma_wait3A_199 = arith.constant 0 : i32
    %dma_wait3A_200 = arith.constant 0 : i32
    %dma_wait3A_201 = tpu.memref_slice %arg4[%dma_wait3A_199, %add3A_170, %dma_wait3A_200] : memref<1x8192x1024xf32, #tpu.memory_space<hbm>> -> memref<1x32x1024xf32, #tpu.memory_space<hbm>>
    %dma_wait3A_202 = tpu.memref_squeeze %dma_wait3A_201 : memref<1x32x1024xf32, #tpu.memory_space<hbm>> -> memref<32x1024xf32, #tpu.memory_space<hbm>>
    %dma_wait3A_203 = arith.constant 0 : i32
    %dma_wait3A_204 = tpu.memref_slice %arg4[%dma_wait3A_199, %add3A_170, %dma_wait3A_203] : memref<1x8192x1024xf32, #tpu.memory_space<hbm>> -> memref<1x32x1024xf32, #tpu.memory_space<hbm>>
    %dma_wait3A_205 = tpu.memref_squeeze %dma_wait3A_204 : memref<1x32x1024xf32, #tpu.memory_space<hbm>> -> memref<32x1024xf32, #tpu.memory_space<hbm>>
    tpu.wait_dma2 semaphore(%arg12 : memref<!tpu.dma_semaphore, #tpu.memory_space<semaphore_mem>>) src(%arg6 : memref<32x1024xf32, #tpu.memory_space<vmem>>) dst(%dma_wait3A_205 : memref<32x1024xf32, #tpu.memory_space<hbm>>)
    %dma_wait3A_206 = arith.constant 0 : i32
    %dma_wait3A_207 = arith.constant 0 : i32
    %dma_wait3A_208 = tpu.memref_slice %arg4[%dma_wait3A_206, %add3A_184, %dma_wait3A_207] : memref<1x8192x1024xf32, #tpu.memory_space<hbm>> -> memref<1x32x1024xf32, #tpu.memory_space<hbm>>
    %dma_wait3A_209 = tpu.memref_squeeze %dma_wait3A_208 : memref<1x32x1024xf32, #tpu.memory_space<hbm>> -> memref<32x1024xf32, #tpu.memory_space<hbm>>
    %dma_wait3A_210 = arith.constant 0 : i32
    %dma_wait3A_211 = tpu.memref_slice %arg4[%dma_wait3A_206, %add3A_184, %dma_wait3A_210] : memref<1x8192x1024xf32, #tpu.memory_space<hbm>> -> memref<1x32x1024xf32, #tpu.memory_space<hbm>>
    %dma_wait3A_212 = tpu.memref_squeeze %dma_wait3A_211 : memref<1x32x1024xf32, #tpu.memory_space<hbm>> -> memref<32x1024xf32, #tpu.memory_space<hbm>>
    tpu.wait_dma2 semaphore(%arg13 : memref<!tpu.dma_semaphore, #tpu.memory_space<semaphore_mem>>) src(%arg7 : memref<32x1024xf32, #tpu.memory_space<vmem>>) dst(%dma_wait3A_212 : memref<32x1024xf32, #tpu.memory_space<hbm>>)
    return
  }
}

</mosaic_0001>

<sc_bundles>
// kernel: kernel.3.cloned.1.call-start
scs
__scs_entry_jumppad:
0x0: {  	(pc) =	sbr.rel $0x88, $3  }
0x1: {  	(tag) =	ssettag $0x0;
	lr =	simm.s32 $0x1  }
0x2: {  	[smem:$0x3F9F] =	sst lr;
	_ =	strace $0xD0000000  }
0x3: {  	_ = 	snop  }
0x4: {  	_ = 	snop  }
0x5: {  	_ = 	snop  }
0x6: {  	_ = 	snop  }
0x7: {  	_ = 	snop  }
__scs_overlays_trampoline_lowered:
0x8: {  	[smem:$0x3FAE] =	sst s0  }
0x9: {  	[smem:$0x3FAF] =	sst s1  }
0xa: {  	[smem:$0x3FB0] =	sst s2  }
0xb: {  	[smem:$0x3FB1] =	sst s3  }
0xc: {  	[smem:$0x3FB2] =	sst s4  }
0xd: {  	[smem:$0x3FB3] =	sst s5  }
0xe: {  	[smem:$0x3FB4] =	sst s6  }
0xf: {  	[smem:$0x3FB5] =	sst s7  }
0x10: {  	[smem:$0x3FB6] =	sst s8  }
0x11: {  	[smem:$0x3FB7] =	sst s9;
	s0 =	simm.s32 @!p0 $0x0  }
0x12: {  	s1 =	sld [smem:$0x3F9D];
	s0 =	simm.s32 @p0 $0x1  }
0x13: {  	[smem:$0x3FB8] =	sst s0;
	s0 =	simm.s32 @!p1 $0x0  }
0x14: {  	s2 =	sld [smem:$0x3F9C];
	s0 =	simm.s32 @p1 $0x1  }
0x15: {  	[smem:$0x3FB9] =	sst s0;
	s0 =	simm.s32 @!p2 $0x0  }
0x16: {  	s3 =	sld [smem:$0x3FDB];
	s0 =	simm.s32 @p2 $0x1  }
0x17: {  	s4 =	simm.s32 $0x1BF5;
	[smem:$0x3FBB] =	sst s0  }
0x18: {  	s0 =	sld [smem:$0x3F9E];
	_ =	swait.ge [sflag:s4], $0x0  }
0x19: {  	s7 =	sld [smem:$0x3F9F]  }
0x1a: {  	s8 =	sadd.s32 $0xFFFFE003, lr  }
0x1b: {  	s9 =	sadd.s32 $0xFFFFFEF7, lr;
	s5 =	simm.s32 $0xFFFFFFFF;
	p2 =	slt.u32 s8, $0xFFFFF086  }
0x1c: {  	p1 =	slt.u32 s9, $0xF7A;
	s5 =	simm.s32 @!p2 $0x0  }
0x1d: {  	s5 =	simm.s32 @p1 $0x1;
	p0 =	seq.s32 s7, s2  }
0x1e: {  	s7 =	smul.u32 @!p0 $0xF7A, s2;
	p2 =	seq.s32 @!p0 s5, $0x0  }
0x1f: {  	s9 =	smul.u32 $0xF7A, s1;
	s8 =	simm.s32 @!p0 $0x1BF5;
	p2 =	por !p2, p0  }
0x20: {  	[sflag:s8] =	ssyncset.s32 @!p0 $0xFFFFF086;
	s6 =	sadd.s32 @!p0 s3, s7;
	s7 =	simm.s32 @!p0 $0x108  }
0x21: {  	s3 =	sadd.s32 s3, s9;
	s6 =	sadd.s32 @!p0 $0x88, s6;
	s7 =	simm.s32 @p2 $0x1082  }
0x22: {  	[simem:s7], [sflag:s8] =	dma.local @!p0 [hbm:s6], $0xF7A  }
0x23: {  	s9 =	sor.u32 $0xD0000000, s2;
	s6 =	simm.s32 $0x108;
	_ =	swait.ge @!p0 [sflag:s8], $0x0  }
0x24: {  	s3 =	sadd.s32 $0x88, s3;
	s6 =	simm.s32 @!p1 $0x1082;
	[sflag:s4] =	ssyncset.s32 $0xFFFFF086  }
0x25: {  	[simem:s6], [sflag:s4] =	dma.local [hbm:s3], $0xF7A  }
0x26: {  	[smem:$0x3F9F] =	sst s1;
	(tag) =	ssettag s2;
	_ =	strace s9  }
0x27: {  	s1 =	sld [smem:$0x3FAF]  }
0x28: {  	s2 =	sld [smem:$0x3FB0]  }
0x29: {  	s4 =	sld [smem:$0x3FB2]  }
0x2a: {  	p0 =	seq.s32 s5, $0x0;
	s5 =	sld [smem:$0x3FB3]  }
0x2b: {  	s6 =	sld [smem:$0x3FB4]  }
0x2c: {  	s7 =	sld [smem:$0x3FB5]  }
0x2d: {  	s3 =	simm.s32 $0x108;
	s8 =	sld [smem:$0x3FB6]  }
0x2e: {  	s3 =	simm.s32 @!p0 $0x1082;
	s9 =	sld [smem:$0x3FB7]  }
0x2f: {  	lr =	sadd.s32 s0, s3;
	s0 =	sld [smem:$0x3FAE]  }
0x30: {  	s3 =	sld [smem:$0x3FB1]  }
0x31: {  	[smem:$0x3FBA] =	sst s10  }
0x32: {  	s10 =	sld [smem:$0x3FB8];
	_ =	sdelay $0x3  }
0x33: {  	p0 =	seq.s32 s10, $0x1;
	s10 =	sld [smem:$0x3FBA];
	_ =	sdelay $0x3  }
0x34: {  	[smem:$0x3FBA] =	sst s10  }
0x35: {  	s10 =	sld [smem:$0x3FB9];
	_ =	sdelay $0x3  }
0x36: {  	p1 =	seq.s32 s10, $0x1;
	s10 =	sld [smem:$0x3FBA];
	_ =	sdelay $0x3  }
0x37: {  	[smem:$0x3FBA] =	sst s10  }
0x38: {  	s10 =	sld [smem:$0x3FBB]  }
0x39: {  	_ = 	snop;
	(pc) =	sbr.ind lr, $3  }
0x3a: {  	_ = 	snop  }
0x3b: {  	_ = 	snop  }
0x3c: {  	p2 =	seq.s32 s10, $0x1;
	s10 =	sld [smem:$0x3FBA]  }
0x3d: {  	_ =	shalt  }
0x3e: {  	_ =	shalt  }
0x3f: {  	_ =	shalt  }
0x40: {  	_ =	shalt  }
0x41: {  	_ =	shalt  }
0x42: {  	_ =	shalt  }
0x43: {  	_ =	shalt  }
0x44: {  	_ =	shalt  }
0x45: {  	_ =	shalt  }
0x46: {  	_ =	shalt  }
0x47: {  	_ =	shalt  }
0x48: {  	_ =	shalt  }
0x49: {  	_ =	shalt  }
0x4a: {  	_ =	shalt  }
0x4b: {  	_ =	shalt  }
0x4c: {  	_ =	shalt  }
0x4d: {  	_ =	shalt  }
0x4e: {  	_ =	shalt  }
0x4f: {  	_ =	shalt  }
0x50: {  	_ =	shalt  }
0x51: {  	_ =	shalt  }
0x52: {  	_ =	shalt  }
0x53: {  	_ =	shalt  }
0x54: {  	_ =	shalt  }
0x55: {  	_ =	shalt  }
0x56: {  	_ =	shalt  }
0x57: {  	_ =	shalt  }
0x58: {  	_ =	shalt  }
0x59: {  	_ =	shalt  }
0x5a: {  	_ =	shalt  }
0x5b: {  	_ =	shalt  }
0x5c: {  	_ =	shalt  }
0x5d: {  	_ =	shalt  }
0x5e: {  	_ =	shalt  }
0x5f: {  	_ =	shalt  }
0x60: {  	_ =	shalt  }
0x61: {  	_ =	shalt  }
0x62: {  	_ =	shalt  }
0x63: {  	_ =	shalt  }
0x64: {  	_ =	shalt  }
0x65: {  	_ =	shalt  }
0x66: {  	_ =	shalt  }
0x67: {  	_ =	shalt  }
0x68: {  	_ =	shalt  }
0x69: {  	_ =	shalt  }
0x6a: {  	_ =	shalt  }
0x6b: {  	_ =	shalt  }
0x6c: {  	_ =	shalt  }
0x6d: {  	_ =	shalt  }
0x6e: {  	_ =	shalt  }
0x6f: {  	_ =	shalt  }
0x70: {  	_ =	shalt  }
0x71: {  	_ =	shalt  }
0x72: {  	_ =	shalt  }
0x73: {  	_ =	shalt  }
0x74: {  	_ =	shalt  }
0x75: {  	_ =	shalt  }
0x76: {  	_ =	shalt  }
0x77: {  	_ =	shalt  }
0x78: {  	_ =	shalt  }
0x79: {  	_ =	shalt  }
0x7a: {  	_ =	shalt  }
0x7b: {  	_ =	shalt  }
0x7c: {  	_ =	shalt  }
0x7d: {  	_ =	shalt  }
0x7e: {  	_ =	shalt  }
0x7f: {  	_ =	shalt  }
0x80: {  	_ =	shalt  }
0x81: {  	_ =	shalt  }
0x82: {  	_ =	shalt  }
0x83: {  	_ =	shalt  }
0x84: {  	_ =	shalt  }
0x85: {  	_ =	shalt  }
0x86: {  	_ =	shalt  }
0x87: {  	_ =	shalt  }
.Lfunc_end0:
.L_simem_size_0:
called_computation_lowered:
.L_overlay_start_0:
0x88: {  	s2 =	sld [smem:$0x3FD9]  }
0x89: {  	s3 =	sld [smem:$0x3FFE];
	_ =	sdelay $0x1  }
0x8a: {  	s1 =	srdreg.scid  }
0x8b: {  	s0 =	sand.u32 $0x1, s1  }
0x8c: {  	s18 =	sshll.u32 s0, $0xA;
	s2 =	sadd.s32 s3, s2  }
0x8d: {  	s2 =	sadd.s32 s2, s18  }
0x8e: {  	[smem:$0x3FC6] =	sst s2  }
0x8f: {  	_ = 	snop  }
0x90: {  	s2 =	sld [smem:$0x3FC9]  }
0x91: {  	s19 =	sld [smem:$0x3FC8]  }
0x92: {  	s4 =	sld [smem:$0x3FD0];
	(tm) =	ssettm $0x1  }
0x93: {  	s5 =	sld [smem:$0x3FFB];
	_ =	sdelay $0x3  }
0x94: {  	_ =	strace s5  }
0x95: {  	s5 =	sld [smem:$0x3FFC];
	_ =	sdelay $0x3  }
0x96: {  	_ =	strace s5  }
0x97: {  	s5 =	sld [smem:$0x3FFD];
	_ =	sdelay $0x3  }
0x98: {  	_ =	strace s5  }
0x99: {  	_ =	strace $0x8FFFFFFF  }
0x9a: {  	s20 =	sld [smem:$0x3FDB];
	_ =	sdelay $0x1  }
0x9b: {  	s6 =	simm.s32 $_scs_section_size  }
0x9c: {  	s7 =	simm.s32 $_size__tile_overlayer_lowered;
	s8 =	simm.s32 $_tile_overlayer_lowered  }
0x9d: {  	s23 =	simm.s32 $0x1BFF;
	s22 =	sshll.u32 s8, $0x1;
	s5 =	sadd.s32 s6, s20  }
0x9e: {  	s9 =	simm.s32 $0x0;
	s21 =	sshll.u32 s7, $0x1;
	s7 =	sadd.s32 s22, s5  }
0x9f: {  	[timem:s9], [sflag:s23] =	dma.local [hbm:s7], s21  }
0xa0: {  	_ =	swait.ge [sflag:s23], s21  }
0xa1: {  	s6 =	ssub.s32 $0x0, s21;
	[sflag:s23] =	ssyncset.done $0x0  }
0xa2: {  	[sflag:s23] =	ssyncadd.s32 s6;
	_ =	sdelay $0x1  }
0xa3: {  	s24 =	simm.s32 $0x1B8B  }
0xa4: {  	_ =	swait.ge [sflag:s24], $0x1  }
0xa5: {  	[sflag:s24] =	ssyncset.done $0x0  }
0xa6: {  	s25 =	simm.s32 $0x1B8E;
	[sflag:s24] =	ssyncadd.s32 $0xFFFFFFFF  }
0xa7: {  	s26 =	simm.s32 $execute0_lowered;
	[smem:$0x3FD2] =	sst s25  }
0xa8: {  	s6 =	sshll.u32 s26, $0x1;
	_ =	strace $0x80000046;
	[dreg:$0x1] =	wrdreg $0xFFFFFFFF  }
0xa9: {  	s28 =	simm.s32 $_size_execute0_lowered;
	s5 =	sadd.s32 s5, s6;
	[dreg:$0x0] =	wrdreg $0x0  }
0xaa: {  	s6 =	sshll.u32 s28, $0x1;
	[dreg:$0x2] =	wrdreg s5  }
0xab: {  	[dreg:$0x3] =	wrdreg s6  }
0xac: {  	[dreg:$0x4] =	wrdreg $0xC0  }
0xad: {  	_ =	task [dreg:s9], $0x5FFFF  }
0xae: {  	[dreg:$0x1] =	wrdreg $0xFFFFFFFF  }
0xaf: {  	[dreg:$0x0] =	wrdreg $0x60  }
0xb0: {  	[dreg:$0x2] =	wrdreg s2  }
0xb1: {  	[dreg:$0x3] =	wrdreg s19  }
0xb2: {  	[dreg:$0x4] =	wrdreg s4  }
0xb3: {  	[dreg:$0x5] =	wrdreg $0x9  }
0xb4: {  	_ =	task.clear_ibuf [dreg:s9], $0x6FFFF;
	_ =	strace $0x90000046  }
0xb5: {  	s29 =	simm.s32 $0x9;
	_ =	strace $0x80000048  }
0xb6: {  	_ =	swait.ge [sflag:s29], $0x1  }
0xb7: {  	[sflag:s29] =	ssyncadd.s32 $0xFFFFFFFF  }
0xb8: {  	_ =	strace $0x90000048  }
0xb9: {  	_ =	sfence  }
0xba: {  	s30 =	sld [smem:$0x0];
	_ =	sdelay $0x2  }
0xbb: {  	s31 =	sshll.u32 s1, $0xD;
	s1 =	sshrl.u32 s1, $0x2  }
0xbc: {  	s3 =	sand.u32 $0x4000, s31;
	s1 =	sadd.s32 s1, s30  }
0xbd: {  	s0 =	sor.u32 s3, s0;
	s1 =	sshll.u32 s1, $0x11  }
0xbe: {  	s0 =	sor.u32 s1, s0  }
0xbf: {  	s0 =	sadd.s32 $0x8F2B, s0  }
0xc0: {  	[sflag:s0] =	ssyncadd.remote.s32 $0x1  }
0xc1: {  	_ =	sfence.sel $0xFFFF  }
0xc2: {  	[dreg:$0x0] =	wrdreg $0xFFFFFFFF;
	(pc) =	sbr.abs _section_cstart, $3  }
0xc3: {  	[dreg:$0x1] =	wrdreg $0xFFFFFFFF  }
0xc4: {  	_ =	task.clear_ibuf [dreg:s9], $0x2FFFF;
	_ =	strace $0x9FFFFFFF  }
0xc5: {  	(tm) =	ssettm $0x7FFFFFFF  }
tec
execute0_lowered:
.L_overlay_start_1:
0x0: {  	(tag) =	ssettag $0x1  }
0x1: {  	s0 =	rddreg [dreg:$0x0]  }
0x2: {  	s2 =	rddreg [dreg:$0x1]  }
0x3: {  	s1 =	rddreg [dreg:$0x2]  }
0x4: {  	s3 =	srdreg.scid;
	s5 =	stileid.u32  }
0x5: {  	s10 =	simm.s32 $0x7;
	s28 =	simm.s32 $0x20;
	s29 =	simm.s32 $0x40  }
0x6: {  	s11 =	simm.s32 $0x12100;
	s12 =	simm.s32 $0x12900;
	s13 =	simm.s32 $0x13100  }
0x7: {  	s14 =	simm.s32 $0x13900;
	s31 =	simm.s32 $0x17100;
	s30 =	simm.s32 $0x17900  }
0x8: {  	s4 =	sand.u32 $0x1, s3;
	s3 =	simm.s32 $0x0;
	s5 =	sshll.u32 s5, $0x9  }
0x9: {  	s6 =	sshll.u32 s4, $0x8;
	[smem:$0x7FF] =	sst s3;
	s22 =	ssub.s32 $0x2, s4  }
0xa: {  	s5 =	sor.u32 s6, s5;
	_ =	strace $0x80000047;
	[dreg:$0xe] =	wrdreg s28  }
0xb: {  	s4 =	sshrl.u32 s22, $0x1;
	[dreg:$0xf] =	wrdreg s29;
	s6 =	sshrl.u32 s5, $0x3  }
0xc: {  	s7 =	sor.u32 $0x20, s5;
	s9 =	sor.u32 $0x40, s5;
	s5 =	sshll.u32 s5, $0x7  }
0xd: {  	s6 =	sadd.s32 s0, s6;
	s8 =	sshrl.u32 s7, $0x3;
	s16 =	sshrl.u32 s9, $0x3  }
0xe: {  	s17 =	sshll.u32 s7, $0x7;
	s19 =	sadd.s32 s1, s5;
	[dreg:$0x4] =	wrdreg s6  }
0xf: {  	s18 =	sshll.u32 s9, $0x7;
	s15 =	sadd.s32 s0, s8;
	[dreg:$0x10] =	wrdreg s19  }
0x10: {  	s5 =	sadd.s32 $0x100, s2;
	s0 =	sadd.s32 s0, s16;
	[dreg:$0x5] =	wrdreg s15  }
0x11: {  	s7 =	sadd.s32 $0x300, s2;
	s20 =	sadd.s32 s1, s18;
	[dreg:$0x6] =	wrdreg s0  }
0x12: {  	s21 =	sadd.s32 $0x3000, s19;
	s23 =	sadd.s32 $0x4000, s19;
	[dreg:$0x8] =	wrdreg s20  }
0x13: {  	s24 =	sadd.s32 $0x5000, s19;
	s25 =	sadd.s32 $0x6000, s19;
	[dreg:$0x9] =	wrdreg s21  }
0x14: {  	s26 =	sadd.s32 $0x7000, s19;
	s6 =	sadd.s32 $0x200, s2;
	[dreg:$0xa] =	wrdreg s23  }
0x15: {  	s16 =	simm.s32 $0x14900;
	s18 =	simm.s32 $0x15900;
	[dreg:$0xb] =	wrdreg s24  }
0x16: {  	s19 =	simm.s32 $0x16100;
	s0 =	sadd.s32 s1, s17;
	[dreg:$0xc] =	wrdreg s25  }
0x17: {  	s1 =	ssub.s32 s22, s4;
	[dreg:$0xd] =	wrdreg s26;
	s20 =	simm.s32 $0x1  }
0x18: {  	v2 =	vlaneseq.u32;
	s21 =	simm.s32 $0x4;
	s22 =	simm.s32 $0x2;
	s23 =	simm.s32 $0x5  }
0x19: {  	vm0 =	vmmov $0xffff;
	v1 =	vshrl.u32 v2, $0x3;
	s26 =	simm.s32 $0x100;
	s15 =	simm.s32 $0x14100;
	s17 =	simm.s32 $0x15100  }
0x1a: {  	v0 =	vand.u32 $0x7, v2;
	v2 =	vor.u32 $0x8, v2;
	v1 =	vmul.u32 $0x8, v1;
	s24 =	simm.s32 $0x16900;
	[dreg:$0x7] =	wrdreg s0;
	s8 =	smax.u32 s1, $0x1  }
.LBB2_1:
0x1b: {  	s28 =	rddreg [dreg:$0x4]  }
0x1c: {  	[tilespmem:s3], [sflag:$0x7] =	stream.linear.gather [hbm4b:s28+s3], $0x20, $0x38;
	[tilespmem:$0x18100] =	vst v63  }
0x1d: {  	_ =	swait.ge [sflag:s10], $0x20  }
0x1e: {  	[sflag:s10] =	ssyncset.done $0x0  }
0x1f: {  	[sflag:s10] =	ssyncadd.s32 $0xFFFFFFE0  }
0x20: {  	v3 =	vld [tilespmem:$0x0];
	_ =	sdelay $0x4  }
0x21: {  	v4 =	vshll.u32 v3, $0x3  }
0x22: {  	v3 =	vand.u32 $0x7, v3;
	v4 =	vand.u32 $0xFFFFFFC0, v4  }
0x23: {  	v3 =	vor.u32 v3, v4  }
0x24: {  	v4 =	vperm.xlane v3, v0;
	_ =	sdelay $0x1  }
0x25: {  	v4 =	vadd.s32 v1, v4;
	_ =	sdelay $0x4  }
0x26: {  	[tilespmem:s26], [sflag:$0x1] =	stream.indirect_vreg.gather [hbm4b:s2+s3], $0x80, v4, vm0, $0xb8;
	[tilespmem:$0x18100] =	vst v63  }
0x27: {  	s0 =	simm.s32 $0x900;
	v3 =	vperm.xlane v3, v2  }
0x28: {  	[tilespmem:s0], [sflag:$0x1] =	stream.indirect_vreg.gather [hbm4b:s5+s3], $0x80, v4, vm0, $0xb8;
	[tilespmem:$0x18100] =	vst v63  }
0x29: {  	s28 =	simm.s32 $0x1100;
	v3 =	vadd.s32 v1, v3  }
0x2a: {  	[tilespmem:s28], [sflag:$0x1] =	stream.indirect_vreg.gather [hbm4b:s6+s3], $0x80, v4, vm0, $0xb8;
	[tilespmem:$0x18100] =	vst v63  }
0x2b: {  	s29 =	simm.s32 $0x1900  }
0x2c: {  	[tilespmem:s29], [sflag:$0x1] =	stream.indirect_vreg.gather [hbm4b:s7+s3], $0x80, v4, vm0, $0xb8;
	[tilespmem:$0x18100] =	vst v63  }
0x2d: {  	s1 =	simm.s32 $0x2100  }
0x2e: {  	[tilespmem:s1], [sflag:$0x1] =	stream.indirect_vreg.gather [hbm4b:s2+s3], $0x80, v3, vm0, $0xb8;
	[tilespmem:$0x18100] =	vst v63  }
0x2f: {  	s4 =	simm.s32 $0x2900  }
0x30: {  	[tilespmem:s4], [sflag:$0x1] =	stream.indirect_vreg.gather [hbm4b:s5+s3], $0x80, v3, vm0, $0xb8;
	[tilespmem:$0x18100] =	vst v63  }
0x31: {  	s25 =	simm.s32 $0x3100  }
0x32: {  	[tilespmem:s25], [sflag:$0x1] =	stream.indirect_vreg.gather [hbm4b:s6+s3], $0x80, v3, vm0, $0xb8;
	[tilespmem:$0x18100] =	vst v63  }
0x33: {  	s28 =	simm.s32 $0x3900  }
0x34: {  	[tilespmem:s28], [sflag:$0x1] =	stream.indirect_vreg.gather [hbm4b:s7+s3], $0x80, v3, vm0, $0xb8;
	[tilespmem:$0x18100] =	vst v63  }
0x35: {  	v3 =	vld [tilespmem:$0x10];
	_ =	sdelay $0x4  }
0x36: {  	v49 =	vshll.u32 v3, $0x3  }
0x37: {  	v3 =	vand.u32 $0x7, v3;
	v4 =	vand.u32 $0xFFFFFFC0, v49  }
0x38: {  	v3 =	vor.u32 v3, v4  }
0x39: {  	v4 =	vperm.xlane v3, v0;
	_ =	sdelay $0x1  }
0x3a: {  	v4 =	vadd.s32 v1, v4;
	_ =	sdelay $0x3  }
0x3b: {  	s29 =	simm.s32 $0x4100  }
0x3c: {  	[tilespmem:s29], [sflag:$0x1] =	stream.indirect_vreg.gather [hbm4b:s2+s3], $0x80, v4, vm0, $0xb8;
	[tilespmem:$0x18100] =	vst v63  }
0x3d: {  	s1 =	simm.s32 $0x4900;
	v3 =	vperm.xlane v3, v2  }
0x3e: {  	[tilespmem:s1], [sflag:$0x1] =	stream.indirect_vreg.gather [hbm4b:s5+s3], $0x80, v4, vm0, $0xb8;
	[tilespmem:$0x18100] =	vst v63  }
0x3f: {  	s4 =	simm.s32 $0x5100;
	v3 =	vadd.s32 v1, v3  }
0x40: {  	[tilespmem:s4], [sflag:$0x1] =	stream.indirect_vreg.gather [hbm4b:s6+s3], $0x80, v4, vm0, $0xb8;
	[tilespmem:$0x18100] =	vst v63  }
0x41: {  	s25 =	simm.s32 $0x5900  }
0x42: {  	[tilespmem:s25], [sflag:$0x1] =	stream.indirect_vreg.gather [hbm4b:s7+s3], $0x80, v4, vm0, $0xb8;
	[tilespmem:$0x18100] =	vst v63  }
0x43: {  	s28 =	simm.s32 $0x6100  }
0x44: {  	[tilespmem:s28], [sflag:$0x1] =	stream.indirect_vreg.gather [hbm4b:s2+s3], $0x80, v3, vm0, $0xb8;
	[tilespmem:$0x18100] =	vst v63  }
0x45: {  	s29 =	simm.s32 $0x6900  }
0x46: {  	[tilespmem:s29], [sflag:$0x1] =	stream.indirect_vreg.gather [hbm4b:s5+s3], $0x80, v3, vm0, $0xb8;
	[tilespmem:$0x18100] =	vst v63  }
0x47: {  	s1 =	simm.s32 $0x7100  }
0x48: {  	[tilespmem:s1], [sflag:$0x1] =	stream.indirect_vreg.gather [hbm4b:s6+s3], $0x80, v3, vm0, $0xb8;
	[tilespmem:$0x18100] =	vst v63  }
0x49: {  	s4 =	rddreg [dreg:$0x5];
	s25 =	simm.s32 $0x7900  }
0x4a: {  	[tilespmem:s25], [sflag:$0x1] =	stream.indirect_vreg.gather [hbm4b:s7+s3], $0x80, v3, vm0, $0xb8;
	[tilespmem:$0x18100] =	vst v63  }
0x4b: {  	s29 =	rddreg [dreg:$0xe]  }
0x4c: {  	[tilespmem:s29], [sflag:$0x7] =	stream.linear.gather [hbm4b:s4+s3], $0x20, $0x38;
	[tilespmem:$0x18100] =	vst v63  }
0x4d: {  	_ =	swait.ge [sflag:s10], $0x20  }
0x4e: {  	[sflag:s10] =	ssyncset.done $0x0  }
0x4f: {  	[sflag:s10] =	ssyncadd.s32 $0xFFFFFFE0  }
0x50: {  	v3 =	vld [tilespmem:$0x20];
	_ =	sdelay $0x4  }
0x51: {  	v50 =	vshll.u32 v3, $0x3  }
0x52: {  	v3 =	vand.u32 $0x7, v3;
	v4 =	vand.u32 $0xFFFFFFC0, v50  }
0x53: {  	v3 =	vor.u32 v3, v4  }
0x54: {  	v4 =	vperm.xlane v3, v0;
	_ =	sdelay $0x1  }
0x55: {  	v4 =	vadd.s32 v1, v4;
	_ =	sdelay $0x3  }
0x56: {  	s0 =	simm.s32 $0x8100  }
0x57: {  	[tilespmem:s0], [sflag:$0x2] =	stream.indirect_vreg.gather [hbm4b:s2+s3], $0x80, v4, vm0, $0xb8;
	[tilespmem:$0x18100] =	vst v63  }
0x58: {  	s4 =	simm.s32 $0x8900;
	v3 =	vperm.xlane v3, v2  }
0x59: {  	[tilespmem:s4], [sflag:$0x2] =	stream.indirect_vreg.gather [hbm4b:s5+s3], $0x80, v4, vm0, $0xb8;
	[tilespmem:$0x18100] =	vst v63  }
0x5a: {  	s29 =	simm.s32 $0x9100;
	v3 =	vadd.s32 v1, v3  }
0x5b: {  	[tilespmem:s29], [sflag:$0x2] =	stream.indirect_vreg.gather [hbm4b:s6+s3], $0x80, v4, vm0, $0xb8;
	[tilespmem:$0x18100] =	vst v63  }
0x5c: {  	s1 =	simm.s32 $0x9900  }
0x5d: {  	[tilespmem:s1], [sflag:$0x2] =	stream.indirect_vreg.gather [hbm4b:s7+s3], $0x80, v4, vm0, $0xb8;
	[tilespmem:$0x18100] =	vst v63  }
0x5e: {  	s28 =	simm.s32 $0xA100  }
0x5f: {  	[tilespmem:s28], [sflag:$0x2] =	stream.indirect_vreg.gather [hbm4b:s2+s3], $0x80, v3, vm0, $0xb8;
	[tilespmem:$0x18100] =	vst v63  }
0x60: {  	s29 =	simm.s32 $0xA900  }
0x61: {  	[tilespmem:s29], [sflag:$0x2] =	stream.indirect_vreg.gather [hbm4b:s5+s3], $0x80, v3, vm0, $0xb8;
	[tilespmem:$0x18100] =	vst v63  }
0x62: {  	s1 =	simm.s32 $0xB100  }
0x63: {  	[tilespmem:s1], [sflag:$0x2] =	stream.indirect_vreg.gather [hbm4b:s6+s3], $0x80, v3, vm0, $0xb8;
	[tilespmem:$0x18100] =	vst v63  }
0x64: {  	s28 =	simm.s32 $0xB900  }
0x65: {  	[tilespmem:s28], [sflag:$0x2] =	stream.indirect_vreg.gather [hbm4b:s7+s3], $0x80, v3, vm0, $0xb8;
	[tilespmem:$0x18100] =	vst v63  }
0x66: {  	v3 =	vld [tilespmem:$0x30];
	_ =	sdelay $0x4  }
0x67: {  	v51 =	vshll.u32 v3, $0x3  }
0x68: {  	v3 =	vand.u32 $0x7, v3;
	v4 =	vand.u32 $0xFFFFFFC0, v51  }
0x69: {  	v3 =	vor.u32 v3, v4  }
0x6a: {  	v4 =	vperm.xlane v3, v0;
	_ =	sdelay $0x1  }
0x6b: {  	v4 =	vadd.s32 v1, v4;
	_ =	sdelay $0x3  }
0x6c: {  	s29 =	simm.s32 $0xC100  }
0x6d: {  	[tilespmem:s29], [sflag:$0x2] =	stream.indirect_vreg.gather [hbm4b:s2+s3], $0x80, v4, vm0, $0xb8;
	[tilespmem:$0x18100] =	vst v63  }
0x6e: {  	s1 =	simm.s32 $0xC900;
	v3 =	vperm.xlane v3, v2  }
0x6f: {  	[tilespmem:s1], [sflag:$0x2] =	stream.indirect_vreg.gather [hbm4b:s5+s3], $0x80, v4, vm0, $0xb8;
	[tilespmem:$0x18100] =	vst v63  }
0x70: {  	s28 =	simm.s32 $0xD100;
	v3 =	vadd.s32 v1, v3  }
0x71: {  	[tilespmem:s28], [sflag:$0x2] =	stream.indirect_vreg.gather [hbm4b:s6+s3], $0x80, v4, vm0, $0xb8;
	[tilespmem:$0x18100] =	vst v63  }
0x72: {  	s29 =	simm.s32 $0xD900  }
0x73: {  	[tilespmem:s29], [sflag:$0x2] =	stream.indirect_vreg.gather [hbm4b:s7+s3], $0x80, v4, vm0, $0xb8;
	[tilespmem:$0x18100] =	vst v63  }
0x74: {  	s1 =	simm.s32 $0xE100  }
0x75: {  	[tilespmem:s1], [sflag:$0x2] =	stream.indirect_vreg.gather [hbm4b:s2+s3], $0x80, v3, vm0, $0xb8;
	[tilespmem:$0x18100] =	vst v63  }
0x76: {  	s28 =	simm.s32 $0xE900  }
0x77: {  	[tilespmem:s28], [sflag:$0x2] =	stream.indirect_vreg.gather [hbm4b:s5+s3], $0x80, v3, vm0, $0xb8;
	[tilespmem:$0x18100] =	vst v63  }
0x78: {  	s29 =	simm.s32 $0xF100  }
0x79: {  	[tilespmem:s29], [sflag:$0x2] =	stream.indirect_vreg.gather [hbm4b:s6+s3], $0x80, v3, vm0, $0xb8;
	[tilespmem:$0x18100] =	vst v63  }
0x7a: {  	s1 =	simm.s32 $0xF900;
	s28 =	rddreg [dreg:$0x6]  }
0x7b: {  	[tilespmem:s1], [sflag:$0x2] =	stream.indirect_vreg.gather [hbm4b:s7+s3], $0x80, v3, vm0, $0xb8;
	[tilespmem:$0x18100] =	vst v63  }
0x7c: {  	s29 =	rddreg [dreg:$0xf]  }
0x7d: {  	[tilespmem:s29], [sflag:$0x7] =	stream.linear.gather [hbm4b:s28+s3], $0xC0, $0x38;
	[tilespmem:$0x18100] =	vst v63  }
0x7e: {  	_ =	swait.ge [sflag:s10], $0xC0  }
0x7f: {  	[sflag:s10] =	ssyncset.done $0x0  }
0x80: {  	[sflag:s10] =	ssyncadd.s32 $0xFFFFFF40  }
0x81: {  	v3 =	vld [tilespmem:$0x40];
	_ =	sdelay $0x4  }
0x82: {  	v52 =	vshll.u32 v3, $0x3  }
0x83: {  	v3 =	vand.u32 $0x7, v3;
	v4 =	vand.u32 $0xFFFFFFC0, v52  }
0x84: {  	v3 =	vor.u32 v3, v4  }
0x85: {  	v4 =	vperm.xlane v3, v0;
	_ =	sdelay $0x1  }
0x86: {  	v4 =	vadd.s32 v1, v4;
	_ =	sdelay $0x3  }
0x87: {  	s29 =	simm.s32 $0x10100  }
0x88: {  	[tilespmem:s29], [sflag:$0x3] =	stream.indirect_vreg.gather [hbm4b:s2+s3], $0x80, v4, vm0, $0xb8;
	[tilespmem:$0x18100] =	vst v63  }
0x89: {  	v3 =	vperm.xlane v3, v2;
	s29 =	simm.s32 $0x10900  }
0x8a: {  	[tilespmem:s29], [sflag:$0x3] =	stream.indirect_vreg.gather [hbm4b:s5+s3], $0x80, v4, vm0, $0xb8;
	[tilespmem:$0x18100] =	vst v63  }
0x8b: {  	s4 =	simm.s32 $0x11100;
	v3 =	vadd.s32 v1, v3  }
0x8c: {  	[tilespmem:s4], [sflag:$0x3] =	stream.indirect_vreg.gather [hbm4b:s6+s3], $0x80, v4, vm0, $0xb8;
	[tilespmem:$0x18100] =	vst v63  }
0x8d: {  	s1 =	simm.s32 $0x11900  }
0x8e: {  	[tilespmem:s1], [sflag:$0x3] =	stream.indirect_vreg.gather [hbm4b:s7+s3], $0x80, v4, vm0, $0xb8;
	[tilespmem:$0x18100] =	vst v63  }
0x8f: {  	_ = 	snop  }
0x90: {  	[tilespmem:s11], [sflag:$0x3] =	stream.indirect_vreg.gather [hbm4b:s2+s3], $0x80, v3, vm0, $0xb8;
	[tilespmem:$0x18100] =	vst v63  }
0x91: {  	_ = 	snop  }
0x92: {  	[tilespmem:s12], [sflag:$0x3] =	stream.indirect_vreg.gather [hbm4b:s5+s3], $0x80, v3, vm0, $0xb8;
	[tilespmem:$0x18100] =	vst v63  }
0x93: {  	_ = 	snop  }
0x94: {  	[tilespmem:s13], [sflag:$0x3] =	stream.indirect_vreg.gather [hbm4b:s6+s3], $0x80, v3, vm0, $0xb8;
	[tilespmem:$0x18100] =	vst v63  }
0x95: {  	_ = 	snop  }
0x96: {  	[tilespmem:s14], [sflag:$0x3] =	stream.indirect_vreg.gather [hbm4b:s7+s3], $0x80, v3, vm0, $0xb8;
	[tilespmem:$0x18100] =	vst v63  }
0x97: {  	v3 =	vld [tilespmem:$0x50];
	_ =	sdelay $0x4  }
0x98: {  	v53 =	vshll.u32 v3, $0x3  }
0x99: {  	v3 =	vand.u32 $0x7, v3;
	v4 =	vand.u32 $0xFFFFFFC0, v53  }
0x9a: {  	v3 =	vor.u32 v3, v4  }
0x9b: {  	v4 =	vperm.xlane v3, v0;
	_ =	sdelay $0x1  }
0x9c: {  	v4 =	vadd.s32 v1, v4;
	_ =	sdelay $0x4  }
0x9d: {  	[tilespmem:s15], [sflag:$0x3] =	stream.indirect_vreg.gather [hbm4b:s2+s3], $0x80, v4, vm0, $0xb8;
	[tilespmem:$0x18100] =	vst v63  }
0x9e: {  	v3 =	vperm.xlane v3, v2  }
0x9f: {  	[tilespmem:s16], [sflag:$0x3] =	stream.indirect_vreg.gather [hbm4b:s5+s3], $0x80, v4, vm0, $0xb8;
	[tilespmem:$0x18100] =	vst v63  }
0xa0: {  	v3 =	vadd.s32 v1, v3  }
0xa1: {  	[tilespmem:s17], [sflag:$0x3] =	stream.indirect_vreg.gather [hbm4b:s6+s3], $0x80, v4, vm0, $0xb8;
	[tilespmem:$0x18100] =	vst v63  }
0xa2: {  	_ = 	snop  }
0xa3: {  	[tilespmem:s18], [sflag:$0x3] =	stream.indirect_vreg.gather [hbm4b:s7+s3], $0x80, v4, vm0, $0xb8;
	[tilespmem:$0x18100] =	vst v63  }
0xa4: {  	_ = 	snop  }
0xa5: {  	[tilespmem:s19], [sflag:$0x3] =	stream.indirect_vreg.gather [hbm4b:s2+s3], $0x80, v3, vm0, $0xb8;
	[tilespmem:$0x18100] =	vst v63  }
0xa6: {  	_ = 	snop  }
0xa7: {  	[tilespmem:s24], [sflag:$0x3] =	stream.indirect_vreg.gather [hbm4b:s5+s3], $0x80, v3, vm0, $0xb8;
	[tilespmem:$0x18100] =	vst v63  }
0xa8: {  	_ = 	snop  }
0xa9: {  	[tilespmem:s31], [sflag:$0x3] =	stream.indirect_vreg.gather [hbm4b:s6+s3], $0x80, v3, vm0, $0xb8;
	[tilespmem:$0x18100] =	vst v63  }
0xaa: {  	_ = 	snop  }
0xab: {  	[tilespmem:s30], [sflag:$0x3] =	stream.indirect_vreg.gather [hbm4b:s7+s3], $0x80, v3, vm0, $0xb8;
	[tilespmem:$0x18100] =	vst v63  }
0xac: {  	_ =	swait.ge [sflag:s20], $0x8000  }
0xad: {  	[sflag:s20] =	ssyncset.done $0x0  }
0xae: {  	s1 =	rddreg [dreg:$0x10];
	[sflag:s20] =	ssyncadd.s32 $0xFFFF8000  }
0xaf: {  	[hbm4b:s1+s3] =	stream.linear.scatter [tilespmem:s26], [sflag:$0x4], $0x8000, $0x38;
	[tilespmem:$0x18100] =	vst v63  }
0xb0: {  	_ =	swait.ge [sflag:s21], $0x8000  }
0xb1: {  	[sflag:s21] =	ssyncset.done $0x0  }
0xb2: {  	[sflag:s21] =	ssyncadd.s32 $0xFFFF8000  }
0xb3: {  	v3 =	vld [tilespmem:$0x60];
	_ =	sdelay $0x4  }
0xb4: {  	v54 =	vshll.u32 v3, $0x3  }
0xb5: {  	v3 =	vand.u32 $0x7, v3;
	v4 =	vand.u32 $0xFFFFFFC0, v54  }
0xb6: {  	v3 =	vor.u32 v3, v4  }
0xb7: {  	v4 =	vperm.xlane v3, v0;
	_ =	sdelay $0x1  }
0xb8: {  	v4 =	vadd.s32 v1, v4;
	_ =	sdelay $0x4  }
0xb9: {  	[tilespmem:s26], [sflag:$0x1] =	stream.indirect_vreg.gather [hbm4b:s2+s3], $0x80, v4, vm0, $0xb8;
	[tilespmem:$0x18100] =	vst v63  }
0xba: {  	s9 =	simm.s32 $0x900;
	v3 =	vperm.xlane v3, v2  }
0xbb: {  	[tilespmem:s9], [sflag:$0x1] =	stream.indirect_vreg.gather [hbm4b:s5+s3], $0x80, v4, vm0, $0xb8;
	[tilespmem:$0x18100] =	vst v63  }
0xbc: {  	s1 =	simm.s32 $0x1100;
	v3 =	vadd.s32 v1, v3  }
0xbd: {  	[tilespmem:s1], [sflag:$0x1] =	stream.indirect_vreg.gather [hbm4b:s6+s3], $0x80, v4, vm0, $0xb8;
	[tilespmem:$0x18100] =	vst v63  }
0xbe: {  	s28 =	simm.s32 $0x1900  }
0xbf: {  	[tilespmem:s28], [sflag:$0x1] =	stream.indirect_vreg.gather [hbm4b:s7+s3], $0x80, v4, vm0, $0xb8;
	[tilespmem:$0x18100] =	vst v63  }
0xc0: {  	s1 =	simm.s32 $0x2100  }
0xc1: {  	[tilespmem:s1], [sflag:$0x1] =	stream.indirect_vreg.gather [hbm4b:s2+s3], $0x80, v3, vm0, $0xb8;
	[tilespmem:$0x18100] =	vst v63  }
0xc2: {  	s28 =	simm.s32 $0x2900  }
0xc3: {  	[tilespmem:s28], [sflag:$0x1] =	stream.indirect_vreg.gather [hbm4b:s5+s3], $0x80, v3, vm0, $0xb8;
	[tilespmem:$0x18100] =	vst v63  }
0xc4: {  	s1 =	simm.s32 $0x3100  }
0xc5: {  	[tilespmem:s1], [sflag:$0x1] =	stream.indirect_vreg.gather [hbm4b:s6+s3], $0x80, v3, vm0, $0xb8;
	[tilespmem:$0x18100] =	vst v63  }
0xc6: {  	s28 =	simm.s32 $0x3900  }
0xc7: {  	[tilespmem:s28], [sflag:$0x1] =	stream.indirect_vreg.gather [hbm4b:s7+s3], $0x80, v3, vm0, $0xb8;
	[tilespmem:$0x18100] =	vst v63  }
0xc8: {  	v3 =	vld [tilespmem:$0x70];
	_ =	sdelay $0x4  }
0xc9: {  	v55 =	vshll.u32 v3, $0x3  }
0xca: {  	v3 =	vand.u32 $0x7, v3;
	v4 =	vand.u32 $0xFFFFFFC0, v55  }
0xcb: {  	v3 =	vor.u32 v3, v4  }
0xcc: {  	v4 =	vperm.xlane v3, v0;
	_ =	sdelay $0x1  }
0xcd: {  	v4 =	vadd.s32 v1, v4;
	_ =	sdelay $0x3  }
0xce: {  	s1 =	simm.s32 $0x4100  }
0xcf: {  	[tilespmem:s1], [sflag:$0x1] =	stream.indirect_vreg.gather [hbm4b:s2+s3], $0x80, v4, vm0, $0xb8;
	[tilespmem:$0x18100] =	vst v63  }
0xd0: {  	s28 =	simm.s32 $0x4900;
	v3 =	vperm.xlane v3, v2  }
0xd1: {  	[tilespmem:s28], [sflag:$0x1] =	stream.indirect_vreg.gather [hbm4b:s5+s3], $0x80, v4, vm0, $0xb8;
	[tilespmem:$0x18100] =	vst v63  }
0xd2: {  	v3 =	vadd.s32 v1, v3;
	s1 =	simm.s32 $0x5100  }
0xd3: {  	[tilespmem:s1], [sflag:$0x1] =	stream.indirect_vreg.gather [hbm4b:s6+s3], $0x80, v4, vm0, $0xb8;
	[tilespmem:$0x18100] =	vst v63  }
0xd4: {  	s28 =	simm.s32 $0x5900  }
0xd5: {  	[tilespmem:s28], [sflag:$0x1] =	stream.indirect_vreg.gather [hbm4b:s7+s3], $0x80, v4, vm0, $0xb8;
	[tilespmem:$0x18100] =	vst v63  }
0xd6: {  	s1 =	simm.s32 $0x6100  }
0xd7: {  	[tilespmem:s1], [sflag:$0x1] =	stream.indirect_vreg.gather [hbm4b:s2+s3], $0x80, v3, vm0, $0xb8;
	[tilespmem:$0x18100] =	vst v63  }
0xd8: {  	s28 =	simm.s32 $0x6900  }
0xd9: {  	[tilespmem:s28], [sflag:$0x1] =	stream.indirect_vreg.gather [hbm4b:s5+s3], $0x80, v3, vm0, $0xb8;
	[tilespmem:$0x18100] =	vst v63  }
0xda: {  	s1 =	simm.s32 $0x7100  }
0xdb: {  	[tilespmem:s1], [sflag:$0x1] =	stream.indirect_vreg.gather [hbm4b:s6+s3], $0x80, v3, vm0, $0xb8;
	[tilespmem:$0x18100] =	vst v63  }
0xdc: {  	s25 =	simm.s32 $0x7900  }
0xdd: {  	[tilespmem:s25], [sflag:$0x1] =	stream.indirect_vreg.gather [hbm4b:s7+s3], $0x80, v3, vm0, $0xb8;
	[tilespmem:$0x18100] =	vst v63  }
0xde: {  	_ =	swait.ge [sflag:s22], $0x8000  }
0xdf: {  	[sflag:s22] =	ssyncset.done $0x0  }
0xe0: {  	s9 =	rddreg [dreg:$0x7];
	[sflag:s22] =	ssyncadd.s32 $0xFFFF8000  }
0xe1: {  	[hbm4b:s9+s3] =	stream.linear.scatter [tilespmem:s0], [sflag:$0x5], $0x8000, $0x38;
	[tilespmem:$0x18100] =	vst v63  }
0xe2: {  	_ =	swait.ge [sflag:s23], $0x8000  }
0xe3: {  	[sflag:s23] =	ssyncset.done $0x0  }
0xe4: {  	[sflag:s23] =	ssyncadd.s32 $0xFFFF8000  }
0xe5: {  	v3 =	vld [tilespmem:$0x80];
	_ =	sdelay $0x4  }
0xe6: {  	v56 =	vshll.u32 v3, $0x3  }
0xe7: {  	v3 =	vand.u32 $0x7, v3;
	v4 =	vand.u32 $0xFFFFFFC0, v56  }
0xe8: {  	v3 =	vor.u32 v3, v4  }
0xe9: {  	v4 =	vperm.xlane v3, v0;
	_ =	sdelay $0x1  }
0xea: {  	v4 =	vadd.s32 v1, v4;
	_ =	sdelay $0x4  }
0xeb: {  	[tilespmem:s0], [sflag:$0x2] =	stream.indirect_vreg.gather [hbm4b:s2+s3], $0x80, v4, vm0, $0xb8;
	[tilespmem:$0x18100] =	vst v63  }
0xec: {  	s25 =	simm.s32 $0x8900;
	v3 =	vperm.xlane v3, v2  }
0xed: {  	[tilespmem:s25], [sflag:$0x2] =	stream.indirect_vreg.gather [hbm4b:s5+s3], $0x80, v4, vm0, $0xb8;
	[tilespmem:$0x18100] =	vst v63  }
0xee: {  	s28 =	simm.s32 $0x9100;
	v3 =	vadd.s32 v1, v3  }
0xef: {  	[tilespmem:s28], [sflag:$0x2] =	stream.indirect_vreg.gather [hbm4b:s6+s3], $0x80, v4, vm0, $0xb8;
	[tilespmem:$0x18100] =	vst v63  }
0xf0: {  	s1 =	simm.s32 $0x9900  }
0xf1: {  	[tilespmem:s1], [sflag:$0x2] =	stream.indirect_vreg.gather [hbm4b:s7+s3], $0x80, v4, vm0, $0xb8;
	[tilespmem:$0x18100] =	vst v63  }
0xf2: {  	s25 =	simm.s32 $0xA100  }
0xf3: {  	[tilespmem:s25], [sflag:$0x2] =	stream.indirect_vreg.gather [hbm4b:s2+s3], $0x80, v3, vm0, $0xb8;
	[tilespmem:$0x18100] =	vst v63  }
0xf4: {  	s28 =	simm.s32 $0xA900  }
0xf5: {  	[tilespmem:s28], [sflag:$0x2] =	stream.indirect_vreg.gather [hbm4b:s5+s3], $0x80, v3, vm0, $0xb8;
	[tilespmem:$0x18100] =	vst v63  }
0xf6: {  	s1 =	simm.s32 $0xB100  }
0xf7: {  	[tilespmem:s1], [sflag:$0x2] =	stream.indirect_vreg.gather [hbm4b:s6+s3], $0x80, v3, vm0, $0xb8;
	[tilespmem:$0x18100] =	vst v63  }
0xf8: {  	s25 =	simm.s32 $0xB900  }
0xf9: {  	[tilespmem:s25], [sflag:$0x2] =	stream.indirect_vreg.gather [hbm4b:s7+s3], $0x80, v3, vm0, $0xb8;
	[tilespmem:$0x18100] =	vst v63  }
0xfa: {  	v3 =	vld [tilespmem:$0x90];
	_ =	sdelay $0x4  }
0xfb: {  	v57 =	vshll.u32 v3, $0x3  }
0xfc: {  	v3 =	vand.u32 $0x7, v3;
	v4 =	vand.u32 $0xFFFFFFC0, v57  }
0xfd: {  	v3 =	vor.u32 v3, v4  }
0xfe: {  	v4 =	vperm.xlane v3, v0;
	_ =	sdelay $0x1  }
0xff: {  	v4 =	vadd.s32 v1, v4;
	_ =	sdelay $0x3  }
0x100: {  	s28 =	simm.s32 $0xC100  }
0x101: {  	[tilespmem:s28], [sflag:$0x2] =	stream.indirect_vreg.gather [hbm4b:s2+s3], $0x80, v4, vm0, $0xb8;
	[tilespmem:$0x18100] =	vst v63  }
0x102: {  	s1 =	simm.s32 $0xC900;
	v3 =	vperm.xlane v3, v2  }
0x103: {  	[tilespmem:s1], [sflag:$0x2] =	stream.indirect_vreg.gather [hbm4b:s5+s3], $0x80, v4, vm0, $0xb8;
	[tilespmem:$0x18100] =	vst v63  }
0x104: {  	s25 =	simm.s32 $0xD100;
	v3 =	vadd.s32 v1, v3  }
0x105: {  	[tilespmem:s25], [sflag:$0x2] =	stream.indirect_vreg.gather [hbm4b:s6+s3], $0x80, v4, vm0, $0xb8;
	[tilespmem:$0x18100] =	vst v63  }
0x106: {  	s28 =	simm.s32 $0xD900  }
0x107: {  	[tilespmem:s28], [sflag:$0x2] =	stream.indirect_vreg.gather [hbm4b:s7+s3], $0x80, v4, vm0, $0xb8;
	[tilespmem:$0x18100] =	vst v63  }
0x108: {  	s1 =	simm.s32 $0xE100  }
0x109: {  	[tilespmem:s1], [sflag:$0x2] =	stream.indirect_vreg.gather [hbm4b:s2+s3], $0x80, v3, vm0, $0xb8;
	[tilespmem:$0x18100] =	vst v63  }
0x10a: {  	s25 =	simm.s32 $0xE900  }
0x10b: {  	[tilespmem:s25], [sflag:$0x2] =	stream.indirect_vreg.gather [hbm4b:s5+s3], $0x80, v3, vm0, $0xb8;
	[tilespmem:$0x18100] =	vst v63  }
0x10c: {  	s28 =	simm.s32 $0xF100  }
0x10d: {  	[tilespmem:s28], [sflag:$0x2] =	stream.indirect_vreg.gather [hbm4b:s6+s3], $0x80, v3, vm0, $0xb8;
	[tilespmem:$0x18100] =	vst v63  }
0x10e: {  	s1 =	simm.s32 $0xF900;
	s25 =	simm.s32 $0x3  }
0x10f: {  	[tilespmem:s1], [sflag:$0x2] =	stream.indirect_vreg.gather [hbm4b:s7+s3], $0x80, v3, vm0, $0xb8;
	[tilespmem:$0x18100] =	vst v63  }
0x110: {  	_ =	swait.ge [sflag:s25], $0x8000  }
0x111: {  	[sflag:s25] =	ssyncset.done $0x0  }
0x112: {  	s1 =	simm.s32 $0x10100;
	s9 =	rddreg [dreg:$0x8];
	[sflag:s25] =	ssyncadd.s32 $0xFFFF8000  }
0x113: {  	[hbm4b:s9+s3] =	stream.linear.scatter [tilespmem:s1], [sflag:$0x6], $0x8000, $0x38;
	[tilespmem:$0x18100] =	vst v63  }
0x114: {  	s9 =	simm.s32 $0x6  }
0x115: {  	_ =	swait.ge [sflag:s9], $0x8000  }
0x116: {  	[sflag:s9] =	ssyncset.done $0x0  }
0x117: {  	[sflag:s9] =	ssyncadd.s32 $0xFFFF8000  }
0x118: {  	v3 =	vld [tilespmem:$0xA0];
	_ =	sdelay $0x4  }
0x119: {  	v58 =	vshll.u32 v3, $0x3  }
0x11a: {  	v3 =	vand.u32 $0x7, v3;
	v4 =	vand.u32 $0xFFFFFFC0, v58  }
0x11b: {  	v3 =	vor.u32 v3, v4  }
0x11c: {  	v4 =	vperm.xlane v3, v0;
	_ =	sdelay $0x1  }
0x11d: {  	v4 =	vadd.s32 v1, v4;
	_ =	sdelay $0x4  }
0x11e: {  	[tilespmem:s1], [sflag:$0x3] =	stream.indirect_vreg.gather [hbm4b:s2+s3], $0x80, v4, vm0, $0xb8;
	[tilespmem:$0x18100] =	vst v63  }
0x11f: {  	v3 =	vperm.xlane v3, v2  }
0x120: {  	[tilespmem:s29], [sflag:$0x3] =	stream.indirect_vreg.gather [hbm4b:s5+s3], $0x80, v4, vm0, $0xb8;
	[tilespmem:$0x18100] =	vst v63  }
0x121: {  	v3 =	vadd.s32 v1, v3  }
0x122: {  	[tilespmem:s4], [sflag:$0x3] =	stream.indirect_vreg.gather [hbm4b:s6+s3], $0x80, v4, vm0, $0xb8;
	[tilespmem:$0x18100] =	vst v63  }
0x123: {  	s29 =	simm.s32 $0x11900  }
0x124: {  	[tilespmem:s29], [sflag:$0x3] =	stream.indirect_vreg.gather [hbm4b:s7+s3], $0x80, v4, vm0, $0xb8;
	[tilespmem:$0x18100] =	vst v63  }
0x125: {  	_ = 	snop  }
0x126: {  	[tilespmem:s11], [sflag:$0x3] =	stream.indirect_vreg.gather [hbm4b:s2+s3], $0x80, v3, vm0, $0xb8;
	[tilespmem:$0x18100] =	vst v63  }
0x127: {  	_ = 	snop  }
0x128: {  	[tilespmem:s12], [sflag:$0x3] =	stream.indirect_vreg.gather [hbm4b:s5+s3], $0x80, v3, vm0, $0xb8;
	[tilespmem:$0x18100] =	vst v63  }
0x129: {  	_ = 	snop  }
0x12a: {  	[tilespmem:s13], [sflag:$0x3] =	stream.indirect_vreg.gather [hbm4b:s6+s3], $0x80, v3, vm0, $0xb8;
	[tilespmem:$0x18100] =	vst v63  }
0x12b: {  	_ = 	snop  }
0x12c: {  	[tilespmem:s14], [sflag:$0x3] =	stream.indirect_vreg.gather [hbm4b:s7+s3], $0x80, v3, vm0, $0xb8;
	[tilespmem:$0x18100] =	vst v63  }
0x12d: {  	v3 =	vld [tilespmem:$0xB0];
	_ =	sdelay $0x4  }
0x12e: {  	v59 =	vshll.u32 v3, $0x3  }
0x12f: {  	v3 =	vand.u32 $0x7, v3;
	v4 =	vand.u32 $0xFFFFFFC0, v59  }
0x130: {  	v3 =	vor.u32 v3, v4  }
0x131: {  	v4 =	vperm.xlane v3, v0;
	_ =	sdelay $0x1  }
0x132: {  	v4 =	vadd.s32 v1, v4;
	_ =	sdelay $0x4  }
0x133: {  	[tilespmem:s15], [sflag:$0x3] =	stream.indirect_vreg.gather [hbm4b:s2+s3], $0x80, v4, vm0, $0xb8;
	[tilespmem:$0x18100] =	vst v63  }
0x134: {  	v3 =	vperm.xlane v3, v2  }
0x135: {  	[tilespmem:s16], [sflag:$0x3] =	stream.indirect_vreg.gather [hbm4b:s5+s3], $0x80, v4, vm0, $0xb8;
	[tilespmem:$0x18100] =	vst v63  }
0x136: {  	v3 =	vadd.s32 v1, v3  }
0x137: {  	[tilespmem:s17], [sflag:$0x3] =	stream.indirect_vreg.gather [hbm4b:s6+s3], $0x80, v4, vm0, $0xb8;
	[tilespmem:$0x18100] =	vst v63  }
0x138: {  	_ = 	snop  }
0x139: {  	[tilespmem:s18], [sflag:$0x3] =	stream.indirect_vreg.gather [hbm4b:s7+s3], $0x80, v4, vm0, $0xb8;
	[tilespmem:$0x18100] =	vst v63  }
0x13a: {  	_ = 	snop  }
0x13b: {  	[tilespmem:s19], [sflag:$0x3] =	stream.indirect_vreg.gather [hbm4b:s2+s3], $0x80, v3, vm0, $0xb8;
	[tilespmem:$0x18100] =	vst v63  }
0x13c: {  	_ = 	snop  }
0x13d: {  	[tilespmem:s24], [sflag:$0x3] =	stream.indirect_vreg.gather [hbm4b:s5+s3], $0x80, v3, vm0, $0xb8;
	[tilespmem:$0x18100] =	vst v63  }
0x13e: {  	_ = 	snop  }
0x13f: {  	[tilespmem:s31], [sflag:$0x3] =	stream.indirect_vreg.gather [hbm4b:s6+s3], $0x80, v3, vm0, $0xb8;
	[tilespmem:$0x18100] =	vst v63  }
0x140: {  	_ = 	snop  }
0x141: {  	[tilespmem:s30], [sflag:$0x3] =	stream.indirect_vreg.gather [hbm4b:s7+s3], $0x80, v3, vm0, $0xb8;
	[tilespmem:$0x18100] =	vst v63  }
0x142: {  	_ =	swait.ge [sflag:s20], $0x8000  }
0x143: {  	[sflag:s20] =	ssyncset.done $0x0  }
0x144: {  	s1 =	rddreg [dreg:$0x9];
	[sflag:s20] =	ssyncadd.s32 $0xFFFF8000  }
0x145: {  	[hbm4b:s1+s3] =	stream.linear.scatter [tilespmem:s26], [sflag:$0x4], $0x8000, $0x38;
	[tilespmem:$0x18100] =	vst v63  }
0x146: {  	_ =	swait.ge [sflag:s21], $0x8000  }
0x147: {  	[sflag:s21] =	ssyncset.done $0x0  }
0x148: {  	[sflag:s21] =	ssyncadd.s32 $0xFFFF8000  }
0x149: {  	v3 =	vld [tilespmem:$0xC0];
	_ =	sdelay $0x4  }
0x14a: {  	v60 =	vshll.u32 v3, $0x3  }
0x14b: {  	v3 =	vand.u32 $0x7, v3;
	v4 =	vand.u32 $0xFFFFFFC0, v60  }
0x14c: {  	v3 =	vor.u32 v3, v4  }
0x14d: {  	v4 =	vperm.xlane v3, v0;
	_ =	sdelay $0x1  }
0x14e: {  	v4 =	vadd.s32 v1, v4;
	_ =	sdelay $0x4  }
0x14f: {  	[tilespmem:s26], [sflag:$0x1] =	stream.indirect_vreg.gather [hbm4b:s2+s3], $0x80, v4, vm0, $0xb8;
	[tilespmem:$0x18100] =	vst v63  }
0x150: {  	s4 =	simm.s32 $0x900;
	v3 =	vperm.xlane v3, v2  }
0x151: {  	[tilespmem:s4], [sflag:$0x1] =	stream.indirect_vreg.gather [hbm4b:s5+s3], $0x80, v4, vm0, $0xb8;
	[tilespmem:$0x18100] =	vst v63  }
0x152: {  	s28 =	simm.s32 $0x1100;
	v3 =	vadd.s32 v1, v3  }
0x153: {  	[tilespmem:s28], [sflag:$0x1] =	stream.indirect_vreg.gather [hbm4b:s6+s3], $0x80, v4, vm0, $0xb8;
	[tilespmem:$0x18100] =	vst v63  }
0x154: {  	s29 =	simm.s32 $0x1900  }
0x155: {  	[tilespmem:s29], [sflag:$0x1] =	stream.indirect_vreg.gather [hbm4b:s7+s3], $0x80, v4, vm0, $0xb8;
	[tilespmem:$0x18100] =	vst v63  }
0x156: {  	s4 =	simm.s32 $0x2100  }
0x157: {  	[tilespmem:s4], [sflag:$0x1] =	stream.indirect_vreg.gather [hbm4b:s2+s3], $0x80, v3, vm0, $0xb8;
	[tilespmem:$0x18100] =	vst v63  }
0x158: {  	s28 =	simm.s32 $0x2900  }
0x159: {  	[tilespmem:s28], [sflag:$0x1] =	stream.indirect_vreg.gather [hbm4b:s5+s3], $0x80, v3, vm0, $0xb8;
	[tilespmem:$0x18100] =	vst v63  }
0x15a: {  	s29 =	simm.s32 $0x3100  }
0x15b: {  	[tilespmem:s29], [sflag:$0x1] =	stream.indirect_vreg.gather [hbm4b:s6+s3], $0x80, v3, vm0, $0xb8;
	[tilespmem:$0x18100] =	vst v63  }
0x15c: {  	s4 =	simm.s32 $0x3900  }
0x15d: {  	[tilespmem:s4], [sflag:$0x1] =	stream.indirect_vreg.gather [hbm4b:s7+s3], $0x80, v3, vm0, $0xb8;
	[tilespmem:$0x18100] =	vst v63  }
0x15e: {  	v3 =	vld [tilespmem:$0xD0];
	_ =	sdelay $0x4  }
0x15f: {  	v61 =	vshll.u32 v3, $0x3  }
0x160: {  	v3 =	vand.u32 $0x7, v3;
	v4 =	vand.u32 $0xFFFFFFC0, v61  }
0x161: {  	v3 =	vor.u32 v3, v4  }
0x162: {  	v4 =	vperm.xlane v3, v0;
	_ =	sdelay $0x1  }
0x163: {  	v4 =	vadd.s32 v1, v4;
	_ =	sdelay $0x3  }
0x164: {  	s28 =	simm.s32 $0x4100  }
0x165: {  	[tilespmem:s28], [sflag:$0x1] =	stream.indirect_vreg.gather [hbm4b:s2+s3], $0x80, v4, vm0, $0xb8;
	[tilespmem:$0x18100] =	vst v63  }
0x166: {  	s29 =	simm.s32 $0x4900;
	v3 =	vperm.xlane v3, v2  }
0x167: {  	[tilespmem:s29], [sflag:$0x1] =	stream.indirect_vreg.gather [hbm4b:s5+s3], $0x80, v4, vm0, $0xb8;
	[tilespmem:$0x18100] =	vst v63  }
0x168: {  	s4 =	simm.s32 $0x5100;
	v3 =	vadd.s32 v1, v3  }
0x169: {  	[tilespmem:s4], [sflag:$0x1] =	stream.indirect_vreg.gather [hbm4b:s6+s3], $0x80, v4, vm0, $0xb8;
	[tilespmem:$0x18100] =	vst v63  }
0x16a: {  	s28 =	simm.s32 $0x5900  }
0x16b: {  	[tilespmem:s28], [sflag:$0x1] =	stream.indirect_vreg.gather [hbm4b:s7+s3], $0x80, v4, vm0, $0xb8;
	[tilespmem:$0x18100] =	vst v63  }
0x16c: {  	s29 =	simm.s32 $0x6100  }
0x16d: {  	[tilespmem:s29], [sflag:$0x1] =	stream.indirect_vreg.gather [hbm4b:s2+s3], $0x80, v3, vm0, $0xb8;
	[tilespmem:$0x18100] =	vst v63  }
0x16e: {  	s4 =	simm.s32 $0x6900  }
0x16f: {  	[tilespmem:s4], [sflag:$0x1] =	stream.indirect_vreg.gather [hbm4b:s5+s3], $0x80, v3, vm0, $0xb8;
	[tilespmem:$0x18100] =	vst v63  }
0x170: {  	s28 =	simm.s32 $0x7100  }
0x171: {  	[tilespmem:s28], [sflag:$0x1] =	stream.indirect_vreg.gather [hbm4b:s6+s3], $0x80, v3, vm0, $0xb8;
	[tilespmem:$0x18100] =	vst v63  }
0x172: {  	s29 =	simm.s32 $0x7900  }
0x173: {  	[tilespmem:s29], [sflag:$0x1] =	stream.indirect_vreg.gather [hbm4b:s7+s3], $0x80, v3, vm0, $0xb8;
	[tilespmem:$0x18100] =	vst v63  }
0x174: {  	_ =	swait.ge [sflag:s22], $0x8000  }
0x175: {  	[sflag:s22] =	ssyncset.done $0x0  }
0x176: {  	s1 =	rddreg [dreg:$0xa];
	[sflag:s22] =	ssyncadd.s32 $0xFFFF8000  }
0x177: {  	[hbm4b:s1+s3] =	stream.linear.scatter [tilespmem:s0], [sflag:$0x5], $0x8000, $0x38;
	[tilespmem:$0x18100] =	vst v63  }
0x178: {  	_ =	swait.ge [sflag:s23], $0x8000  }
0x179: {  	[sflag:s23] =	ssyncset.done $0x0  }
0x17a: {  	[sflag:s23] =	ssyncadd.s32 $0xFFFF8000  }
0x17b: {  	v3 =	vld [tilespmem:$0xE0];
	_ =	sdelay $0x4  }
0x17c: {  	v62 =	vshll.u32 v3, $0x3  }
0x17d: {  	v3 =	vand.u32 $0x7, v3;
	v4 =	vand.u32 $0xFFFFFFC0, v62  }
0x17e: {  	v3 =	vor.u32 v3, v4  }
0x17f: {  	v4 =	vperm.xlane v3, v0;
	_ =	sdelay $0x1  }
0x180: {  	v4 =	vadd.s32 v1, v4;
	_ =	sdelay $0x4  }
0x181: {  	[tilespmem:s0], [sflag:$0x2] =	stream.indirect_vreg.gather [hbm4b:s2+s3], $0x80, v4, vm0, $0xb8;
	[tilespmem:$0x18100] =	vst v63  }
0x182: {  	s4 =	simm.s32 $0x8900;
	v3 =	vperm.xlane v3, v2  }
0x183: {  	[tilespmem:s4], [sflag:$0x2] =	stream.indirect_vreg.gather [hbm4b:s5+s3], $0x80, v4, vm0, $0xb8;
	[tilespmem:$0x18100] =	vst v63  }
0x184: {  	s28 =	simm.s32 $0x9100;
	v3 =	vadd.s32 v1, v3  }
0x185: {  	[tilespmem:s28], [sflag:$0x2] =	stream.indirect_vreg.gather [hbm4b:s6+s3], $0x80, v4, vm0, $0xb8;
	[tilespmem:$0x18100] =	vst v63  }
0x186: {  	s29 =	simm.s32 $0x9900  }
0x187: {  	[tilespmem:s29], [sflag:$0x2] =	stream.indirect_vreg.gather [hbm4b:s7+s3], $0x80, v4, vm0, $0xb8;
	[tilespmem:$0x18100] =	vst v63  }
0x188: {  	s4 =	simm.s32 $0xA100  }
0x189: {  	[tilespmem:s4], [sflag:$0x2] =	stream.indirect_vreg.gather [hbm4b:s2+s3], $0x80, v3, vm0, $0xb8;
	[tilespmem:$0x18100] =	vst v63  }
0x18a: {  	s28 =	simm.s32 $0xA900  }
0x18b: {  	[tilespmem:s28], [sflag:$0x2] =	stream.indirect_vreg.gather [hbm4b:s5+s3], $0x80, v3, vm0, $0xb8;
	[tilespmem:$0x18100] =	vst v63  }
0x18c: {  	s29 =	simm.s32 $0xB100  }
0x18d: {  	[tilespmem:s29], [sflag:$0x2] =	stream.indirect_vreg.gather [hbm4b:s6+s3], $0x80, v3, vm0, $0xb8;
	[tilespmem:$0x18100] =	vst v63  }
0x18e: {  	s4 =	simm.s32 $0xB900  }
0x18f: {  	[tilespmem:s4], [sflag:$0x2] =	stream.indirect_vreg.gather [hbm4b:s7+s3], $0x80, v3, vm0, $0xb8;
	[tilespmem:$0x18100] =	vst v63  }
0x190: {  	v3 =	vld [tilespmem:$0xF0];
	_ =	sdelay $0x4  }
0x191: {  	v63 =	vshll.u32 v3, $0x3  }
0x192: {  	v3 =	vand.u32 $0x7, v3;
	v4 =	vand.u32 $0xFFFFFFC0, v63  }
0x193: {  	v3 =	vor.u32 v3, v4  }
0x194: {  	v4 =	vperm.xlane v3, v0;
	_ =	sdelay $0x1  }
0x195: {  	v4 =	vadd.s32 v1, v4;
	_ =	sdelay $0x3  }
0x196: {  	s28 =	simm.s32 $0xC100  }
0x197: {  	[tilespmem:s28], [sflag:$0x2] =	stream.indirect_vreg.gather [hbm4b:s2+s3], $0x80, v4, vm0, $0xb8;
	[tilespmem:$0x18100] =	vst v63  }
0x198: {  	s29 =	simm.s32 $0xC900;
	v3 =	vperm.xlane v3, v2  }
0x199: {  	[tilespmem:s29], [sflag:$0x2] =	stream.indirect_vreg.gather [hbm4b:s5+s3], $0x80, v4, vm0, $0xb8;
	[tilespmem:$0x18100] =	vst v63  }
0x19a: {  	s4 =	simm.s32 $0xD100;
	v3 =	vadd.s32 v1, v3  }
0x19b: {  	[tilespmem:s4], [sflag:$0x2] =	stream.indirect_vreg.gather [hbm4b:s6+s3], $0x80, v4, vm0, $0xb8;
	[tilespmem:$0x18100] =	vst v63  }
0x19c: {  	s28 =	simm.s32 $0xD900  }
0x19d: {  	[tilespmem:s28], [sflag:$0x2] =	stream.indirect_vreg.gather [hbm4b:s7+s3], $0x80, v4, vm0, $0xb8;
	[tilespmem:$0x18100] =	vst v63  }
0x19e: {  	s29 =	simm.s32 $0xE100  }
0x19f: {  	[tilespmem:s29], [sflag:$0x2] =	stream.indirect_vreg.gather [hbm4b:s2+s3], $0x80, v3, vm0, $0xb8;
	[tilespmem:$0x18100] =	vst v63  }
0x1a0: {  	s4 =	simm.s32 $0xE900  }
0x1a1: {  	[tilespmem:s4], [sflag:$0x2] =	stream.indirect_vreg.gather [hbm4b:s5+s3], $0x80, v3, vm0, $0xb8;
	[tilespmem:$0x18100] =	vst v63  }
0x1a2: {  	s28 =	simm.s32 $0xF100  }
0x1a3: {  	[tilespmem:s28], [sflag:$0x2] =	stream.indirect_vreg.gather [hbm4b:s6+s3], $0x80, v3, vm0, $0xb8;
	[tilespmem:$0x18100] =	vst v63  }
0x1a4: {  	s29 =	simm.s32 $0xF900  }
0x1a5: {  	[tilespmem:s29], [sflag:$0x2] =	stream.indirect_vreg.gather [hbm4b:s7+s3], $0x80, v3, vm0, $0xb8;
	[tilespmem:$0x18100] =	vst v63  }
0x1a6: {  	_ =	swait.ge [sflag:s25], $0x8000  }
0x1a7: {  	[sflag:s25] =	ssyncset.done $0x0  }
0x1a8: {  	s4 =	simm.s32 $0x10100;
	s1 =	rddreg [dreg:$0xb];
	[sflag:s25] =	ssyncadd.s32 $0xFFFF8000  }
0x1a9: {  	[hbm4b:s1+s3] =	stream.linear.scatter [tilespmem:s4], [sflag:$0x6], $0x8000, $0x38;
	[tilespmem:$0x18100] =	vst v63  }
0x1aa: {  	_ =	swait.ge [sflag:s20], $0x8000  }
0x1ab: {  	[sflag:s20] =	ssyncset.done $0x0  }
0x1ac: {  	s25 =	rddreg [dreg:$0xc];
	[sflag:s20] =	ssyncadd.s32 $0xFFFF8000  }
0x1ad: {  	[hbm4b:s25+s3] =	stream.linear.scatter [tilespmem:s26], [sflag:$0x4], $0x8000, $0x38;
	[tilespmem:$0x18100] =	vst v63  }
0x1ae: {  	_ =	swait.ge [sflag:s22], $0x8000  }
0x1af: {  	[sflag:s22] =	ssyncset.done $0x0  }
0x1b0: {  	s29 =	rddreg [dreg:$0xd];
	[sflag:s22] =	ssyncadd.s32 $0xFFFF8000  }
0x1b1: {  	[hbm4b:s29+s3] =	stream.linear.scatter [tilespmem:s0], [sflag:$0x5], $0x8000, $0x38;
	[tilespmem:$0x18100] =	vst v63  }
0x1b2: {  	_ =	swait.ge [sflag:s9], $0x8000  }
0x1b3: {  	[sflag:s9] =	ssyncset.done $0x0  }
0x1b4: {  	[sflag:s9] =	ssyncadd.s32 $0xFFFF8000  }
0x1b5: {  	p0 =	sne.s32 s8, $0x1;
	_ =	swait.ge [sflag:s21], $0x8000  }
.Ltmp0:
0x1b6: {  	[sflag:s21] =	ssyncset.done $0x0;
	(pc) =	sbr.rel @p0 .LBB2_1-.Ltmp0, $4  }
0x1b7: {  	[sflag:s21] =	ssyncadd.s32 $0xFFFF8000  }
0x1b8: {  	_ =	swait.ge [sflag:s23], $0x8000  }
0x1b9: {  	[sflag:s23] =	ssyncset.done $0x0  }
0x1ba: {  	s8 =	sadd.s32 $0xFFFFFFFF, s8;
	[sflag:s23] =	ssyncadd.s32 $0xFFFF8000  }
0x1bb: {  	_ =	sfence.sel $0x180000  }
0x1bc: {  	[bflag:$0x0] =	sbarrier.arrive $0xFFFF  }
0x1bd: {  	_ =	strace $0x90000047  }
0x1be: {  	s0 =	stileid.u32;
	[bflag:$0x2] =	sbarrier.arrive $0xFFFF  }
0x1bf: {  	p0 =	sne.s32 s0, $0x0;
	s0 =	rddreg [dreg:$0x3]  }
0x1c0: {  	s0 =	sadd.s32 @!p0 $0x100000, s0  }
0x1c1: {  	[sflag:s0] =	ssyncadd.tile.s32 @!p0 $0x1;
	_ =	shalt  }
.Lfunc_end2:
_tile_overlayer_lowered:
.L_overlay_start_2:
0x1c2: {  	(tag) =	ssettag $0x2  }
0x1c3: {  	s0 =	rddreg [dreg:$0x0];
	s2 =	stileid.u32  }
0x1c4: {  	s1 =	rddreg [dreg:$0x1];
	p0 =	sne.s32 s2, $0x0  }
0x1c5: {  	s3 =	rddreg [dreg:$0x2];
	[bflag:$0x3] =	sbarrier.arrive $0xFFFF;
	s2 =	simm.s32 @!p0 $0x1C07  }
0x1c6: {  	[timem:s3], [sflag:s2] =	dma.local @!p0 [hbm:s0], s1  }
0x1c7: {  	s0 =	simm.s32 @!p0 $0x7  }
0x1c8: {  	_ =	swait.ge @!p0 [sflag:s0], s1  }
0x1c9: {  	s1 =	ssub.s32 @!p0 $0x0, s1;
	[sflag:s0] =	ssyncset.done @!p0 $0x0  }
0x1ca: {  	[sflag:s0] =	ssyncadd.s32 @!p0 s1  }
0x1cb: {  	[bflag:$0x3] =	sbarrier.arrive $0xFFFF  }
0x1cc: {  	_ =	shalt  }

</sc_bundles>
